<compile_context>
chip_gen: v7x
topology: tpu7x:2x2x1
jax: 0.10.2.dev20260603
libtpu: 0.0.44.dev20260713+nightly
codegen_flags: <defaults>
</compile_context>

<pallas_src>
import functools

import jax
import jax.numpy as jnp
from jax import lax
from jax.experimental import pallas as pl
from jax.experimental.pallas import tpu as pltpu
from jax.experimental.pallas import tpu_sc as plsc

VOCAB = 100000
EMBED = 64
MAX_WORD_LEN = 50
HIDDEN = 1024
N_CLASSES = 128
BATCH = 4096

NCHUNK = 2
BCH = BATCH // NCHUNK
PAIRS = MAX_WORD_LEN // 2
YROWS = BCH * MAX_WORD_LEN // 2
IDX_COLS = 12800


def _sc_worker_count():
    try:
        info = plsc.get_sparse_core_info()
        return info.num_cores * info.num_subcores
    except Exception:
        return 32


@functools.lru_cache(maxsize=None)
def _make_sc_gather(n_workers: int, chunk: int):
    per_w = YROWS // n_workers
    n_chunks = per_w // chunk
    mesh = plsc.VectorSubcoreMesh(core_axis_name="c", subcore_axis_name="s")

    @functools.partial(
        pl.kernel,
        out_type=jax.ShapeDtypeStruct((YROWS, 2 * EMBED), jnp.float32),
        mesh=mesh,
        scratch_types=[
            pltpu.VMEM((2, chunk), jnp.int32),
            pltpu.VMEM((2, chunk, EMBED), jnp.float32),
            pltpu.SemaphoreType.DMA,
            pltpu.SemaphoreType.DMA,
            pltpu.SemaphoreType.DMA,
            pltpu.SemaphoreType.DMA,
        ],
        compiler_params=pltpu.CompilerParams(use_tc_tiling_on_sc=False),
    )
    def gather_kernel(idx_hbm, table_hbm, out_hbm, idx_v, rows_v, g0, g1, w0, w1):
        wid = lax.axis_index("s") * 2 + lax.axis_index("c")
        base = wid * per_w
        units = [(c, h) for c in range(n_chunks) for h in range(2)]
        gsem = (g0, g1)
        wsem = (w0, w1)

        def load_idx_start_gather(u):
            c, h = units[u]
            flat = h * YROWS + base + c * chunk
            pltpu.sync_copy(
                idx_hbm.at[flat // IDX_COLS, pl.ds(flat % IDX_COLS, chunk)],
                idx_v.at[u % 2])
            return pltpu.async_copy(
                table_hbm.at[idx_v.at[u % 2]], rows_v.at[u % 2], gsem[u % 2])

        def start_scatter(u):
            c, h = units[u]
            off = base + c * chunk
            return pltpu.async_copy(
                rows_v.at[u % 2],
                out_hbm.at[pl.ds(off, chunk), pl.ds(h * EMBED, EMBED)],
                wsem[u % 2])

        n = len(units)
        gops = [None] * n
        wops = [None] * n
        gops[0] = load_idx_start_gather(0)
        for u in range(n):
            if u + 1 < n:
                if u >= 1:
                    wops[u - 1].wait()
                gops[u + 1] = load_idx_start_gather(u + 1)
            gops[u].wait()
            wops[u] = start_scatter(u)
        wops[n - 2].wait()
        wops[n - 1].wait()

    return gather_kernel


def _mlp_body(z_ref, w1_ref, b1_ref, w2_ref, b2_ref, out_ref):
    z = z_ref[...]
    a = jnp.concatenate([z[t] for t in range(PAIRS)], axis=1)
    h = lax.dot_general(a, w1_ref[...], (((1,), (1,)), ((), ())),
                        preferred_element_type=jnp.float32)
    h = jnp.maximum(h + b1_ref[...], 0.0)
    out_ref[...] = lax.dot_general(h, w2_ref[...], (((1,), (1,)), ((), ())),
                                   preferred_element_type=jnp.float32) + b2_ref[...]


@functools.lru_cache(maxsize=None)
def _make_mlp(tile_b: int):
    in_dim = MAX_WORD_LEN * EMBED
    grid = (BCH // tile_b,)
    return pl.pallas_call(
        _mlp_body,
        grid=grid,
        in_specs=[
            pl.BlockSpec((PAIRS, tile_b, 2 * EMBED), lambda i: (0, i, 0)),
            pl.BlockSpec((HIDDEN, in_dim), lambda i: (0, 0)),
            pl.BlockSpec((1, HIDDEN), lambda i: (0, 0)),
            pl.BlockSpec((N_CLASSES, HIDDEN), lambda i: (0, 0)),
            pl.BlockSpec((1, N_CLASSES), lambda i: (0, 0)),
        ],
        out_specs=pl.BlockSpec((tile_b, N_CLASSES), lambda i: (i, 0)),
        out_shape=jax.ShapeDtypeStruct((BCH, N_CLASSES), jnp.float32),
    )


def kernel(x, table, W1, b1, W2, b2):
    nw = _sc_worker_count()
    xi = x.astype(jnp.int32)
    b1r = b1.reshape(1, HIDDEN)
    b2r = b2.reshape(1, N_CLASSES)
    outs = []
    for c in range(NCHUNK):
        xc = xi[c * BCH:(c + 1) * BCH]
        idx2 = xc.reshape(BCH, PAIRS, 2).transpose(2, 1, 0)
        idx16 = idx2.reshape(2 * YROWS // IDX_COLS, IDX_COLS)
        y2 = _make_sc_gather(nw, 800)(idx16, table)
        z = y2.reshape(PAIRS, BCH, 2 * EMBED)
        outs.append(_make_mlp(512)(z, W1, b1r, W2, b2r))
    return jnp.concatenate(outs, axis=0)

# --- scband reference (transcript-rebuilt; emitter-appended) ---
"""Pipeline reference for scband-ff-text-68994354643271 (READ-ONLY COPY).

The authoritative reference and input builder live on the scoring server;
editing this copy changes nothing except your own understanding.
"""

import jax, jax.numpy as jnp
import numpy as np

VOCAB = 100000
EMBED = 64
MAX_WORD_LEN = 50
HIDDEN = 1024
N_CLASSES = 128
BATCH = 4096

def setup_inputs(seed: int = 0) -> dict:
    key = jax.random.key(seed)
    k_x, k_tab, k_w1, k_b1, k_w2, k_b2 = jax.random.split(key, 6)
    x = jax.random.randint(k_x, (BATCH, MAX_WORD_LEN), 0, VOCAB, dtype=jnp.int64 if jax.config.jax_enable_x64 else jnp.int32)
    table = jax.random.normal(k_tab, (VOCAB, EMBED), dtype=jnp.float32)
    in_dim = MAX_WORD_LEN * EMBED
    W1 = jax.random.normal(k_w1, (HIDDEN, in_dim), dtype=jnp.float32) * (1.0 / np.sqrt(in_dim))
    b1 = jnp.zeros((HIDDEN,), dtype=jnp.float32)
    W2 = jax.random.normal(k_w2, (N_CLASSES, HIDDEN), dtype=jnp.float32) * (1.0 / np.sqrt(HIDDEN))
    b2 = jnp.zeros((N_CLASSES,), dtype=jnp.float32)
    return {"x": x, "table": table, "W1": W1, "b1": b1, "W2": W2, "b2": b2}

def reference(x, table, W1, b1, W2, b2):
    # embedding lookup (frozen weights in original module)
    emb = jnp.take(table, x, axis=0)            # [B, L, E]
    flat = emb.reshape(emb.shape[0], -1)        # [B, L*E]
    h = flat @ W1.T + b1                        # [B, HIDDEN]
    h = jax.nn.relu(h)
    out = h @ W2.T + b2                         # [B, N_CLASSES]
    return out

if __name__ == "__main__":
    import jax
    _d = setup_inputs()
    print(jax.jit(kernel)(*tuple(_d.values())))

</pallas_src>

<mosaic_0001>
#map = affine_map<(d0, d1) -> (0, 0)>
module attributes {stable_mosaic.version = 14 : i64} {
  func.func @gather_kernel(%arg0: i32, %arg1: i32, %arg2: memref<8x12800xi32, #tpu.memory_space<hbm>>, %arg3: memref<100000x64xf32, #tpu.memory_space<hbm>>, %arg4: memref<51200x128xf32, #tpu.memory_space<hbm>>, %arg5: memref<2x800xi32, #tpu.memory_space<vmem>>, %arg6: memref<2x800x64xf32, #tpu.memory_space<vmem>>, %arg7: memref<!tpu.dma_semaphore, #tpu.memory_space<semaphore_mem>>, %arg8: memref<!tpu.dma_semaphore, #tpu.memory_space<semaphore_mem>>, %arg9: memref<!tpu.dma_semaphore, #tpu.memory_space<semaphore_mem>>, %arg10: memref<!tpu.dma_semaphore, #tpu.memory_space<semaphore_mem>>) attributes {dimension_semantics = [#tpu.dimension_semantics<core_parallel>, #tpu.dimension_semantics<subcore_parallel>], iteration_bounds = array<i64: 2, 16>, scalar_prefetch = 0 : i64, scratch_operands = 6 : i64, tpu.core_type = #tpu.core_type<sc_vector_subcore>, window_params = [{transform_indices = #map}, {transform_indices = #map}, {transform_indices = #map}]} {
    %mul3A = arith.constant 2 : i32
    %mul3A_0 = arith.muli %arg1, %mul3A : i32
    %add3A = arith.addi %mul3A_0, %arg0 : i32
    %mul3A_1 = arith.constant 1600 : i32
    %mul3A_2 = arith.muli %add3A, %mul3A_1 : i32
    %add3A_3 = arith.constant 0 : i32
    %add3A_4 = arith.addi %add3A_3, %mul3A_2 : i32
    %add3A_5 = arith.constant 0 : i32
    %add3A_6 = arith.addi %add3A_4, %add3A_5 : i32
    %jit3A = arith.constant 12800 : i32
    %div3A = arith.divsi %add3A_6, %jit3A : i32
    %sign3A = arith.constant 0 : i32
    %sign3A_7 = arith.cmpi sgt, %add3A_6, %sign3A : i32
    %sign3A_8 = arith.extui %sign3A_7 : i1 to i32
    %sign3A_9 = arith.constant 0 : i32
    %sign3A_10 = arith.cmpi slt, %add3A_6, %sign3A_9 : i32
    %sign3A_11 = arith.extui %sign3A_10 : i1 to i32
    %sign3A_12 = arith.subi %sign3A_8, %sign3A_11 : i32
    %sign3A_13 = arith.constant 0 : i32
    %sign3A_14 = arith.cmpi sgt, %jit3A, %sign3A_13 : i32
    %sign3A_15 = arith.extui %sign3A_14 : i1 to i32
    %sign3A_16 = arith.constant 0 : i32
    %sign3A_17 = arith.cmpi slt, %jit3A, %sign3A_16 : i32
    %sign3A_18 = arith.extui %sign3A_17 : i1 to i32
    %sign3A_19 = arith.subi %sign3A_15, %sign3A_18 : i32
    %ne3A = arith.cmpi ne, %sign3A_12, %sign3A_19 : i32
    %rem3A = arith.remsi %add3A_6, %jit3A : i32
    %ne3A_20 = arith.constant 0 : i32
    %ne3A_21 = arith.cmpi ne, %rem3A, %ne3A_20 : i32
    %and3A = arith.andi %ne3A, %ne3A_21 : i1
    %sub3A = arith.constant 1 : i32
    %sub3A_22 = arith.subi %div3A, %sub3A : i32
    %select_n3A = arith.select %and3A, %sub3A_22, %div3A : i32
    %jit3A_23 = arith.constant 12800 : i32
    %eq3A = arith.constant 0 : i32
    %eq3A_24 = arith.cmpi eq, %jit3A_23, %eq3A : i32
    %jit3A_25 = arith.constant 1 : i32
    %select_n3A_26 = arith.select %eq3A_24, %jit3A_25, %jit3A_23 : i32
    %rem3A_27 = arith.remsi %add3A_6, %select_n3A_26 : i32
    %ne3A_28 = arith.constant 0 : i32
    %ne3A_29 = arith.cmpi ne, %rem3A_27, %ne3A_28 : i32
    %lt3A = arith.constant 0 : i32
    %lt3A_30 = arith.cmpi slt, %rem3A_27, %lt3A : i32
    %lt3A_31 = arith.constant 0 : i32
    %lt3A_32 = arith.cmpi slt, %select_n3A_26, %lt3A_31 : i32
    %ne3A_33 = arith.xori %lt3A_30, %lt3A_32 : i1
    %and3A_34 = arith.andi %ne3A_33, %ne3A_29 : i1
    %add3A_35 = arith.addi %rem3A_27, %select_n3A_26 : i32
    %select_n3A_36 = arith.select %and3A_34, %add3A_35, %rem3A_27 : i32
    %run_scoped3A = arith.constant 0 : i32
    "tpu.region"() ({
      %run_scoped3A_378 = tpu.sem_alloc : memref<!tpu.dma_semaphore, #tpu.memory_space<semaphore_mem>>
      %dma_start3A_379 = arith.constant 0 : i32
      %dma_start3A_380 = tpu.memref_slice %arg5[%run_scoped3A, %dma_start3A_379] : memref<2x800xi32, #tpu.memory_space<vmem>> -> memref<1x800xi32, #tpu.memory_space<vmem>>
      %dma_start3A_381 = tpu.memref_squeeze %dma_start3A_380 : memref<1x800xi32, #tpu.memory_space<vmem>> -> memref<800xi32, #tpu.memory_space<vmem>>
      %dma_start3A_382 = tpu.memref_slice %arg2[%select_n3A, %select_n3A_36] : memref<8x12800xi32, #tpu.memory_space<hbm>> -> memref<1x800xi32, #tpu.memory_space<hbm>>
      %dma_start3A_383 = tpu.memref_squeeze %dma_start3A_382 : memref<1x800xi32, #tpu.memory_space<hbm>> -> memref<800xi32, #tpu.memory_space<hbm>>
      %dma_start3A_384 = arith.constant 0 : i32
      %dma_start3A_385 = tpu.memref_slice %arg5[%run_scoped3A, %dma_start3A_384] : memref<2x800xi32, #tpu.memory_space<vmem>> -> memref<1x800xi32, #tpu.memory_space<vmem>>
      %dma_start3A_386 = tpu.memref_squeeze %dma_start3A_385 : memref<1x800xi32, #tpu.memory_space<vmem>> -> memref<800xi32, #tpu.memory_space<vmem>>
      %dma_start3A_387 = tpu.memref_slice %arg2[%select_n3A, %select_n3A_36] : memref<8x12800xi32, #tpu.memory_space<hbm>> -> memref<1x800xi32, #tpu.memory_space<hbm>>
      %dma_start3A_388 = tpu.memref_squeeze %dma_start3A_387 : memref<1x800xi32, #tpu.memory_space<hbm>> -> memref<800xi32, #tpu.memory_space<hbm>>
      tpu.enqueue_dma source(%dma_start3A_388 : memref<800xi32, #tpu.memory_space<hbm>>) target(%dma_start3A_386 : memref<800xi32, #tpu.memory_space<vmem>>) target_semaphore(%run_scoped3A_378 : memref<!tpu.dma_semaphore, #tpu.memory_space<semaphore_mem>>)
      %dma_wait3A_389 = arith.constant 0 : i32
      %dma_wait3A_390 = tpu.memref_slice %arg5[%run_scoped3A, %dma_wait3A_389] : memref<2x800xi32, #tpu.memory_space<vmem>> -> memref<1x800xi32, #tpu.memory_space<vmem>>
      %dma_wait3A_391 = tpu.memref_squeeze %dma_wait3A_390 : memref<1x800xi32, #tpu.memory_space<vmem>> -> memref<800xi32, #tpu.memory_space<vmem>>
      %dma_wait3A_392 = tpu.memref_slice %arg2[%select_n3A, %select_n3A_36] : memref<8x12800xi32, #tpu.memory_space<hbm>> -> memref<1x800xi32, #tpu.memory_space<hbm>>
      %dma_wait3A_393 = tpu.memref_squeeze %dma_wait3A_392 : memref<1x800xi32, #tpu.memory_space<hbm>> -> memref<800xi32, #tpu.memory_space<hbm>>
      %dma_wait3A_394 = arith.constant 0 : i32
      %dma_wait3A_395 = tpu.memref_slice %arg5[%run_scoped3A, %dma_wait3A_394] : memref<2x800xi32, #tpu.memory_space<vmem>> -> memref<1x800xi32, #tpu.memory_space<vmem>>
      %dma_wait3A_396 = tpu.memref_squeeze %dma_wait3A_395 : memref<1x800xi32, #tpu.memory_space<vmem>> -> memref<800xi32, #tpu.memory_space<vmem>>
      %dma_wait3A_397 = tpu.memref_slice %arg2[%select_n3A, %select_n3A_36] : memref<8x12800xi32, #tpu.memory_space<hbm>> -> memref<1x800xi32, #tpu.memory_space<hbm>>
      %dma_wait3A_398 = tpu.memref_squeeze %dma_wait3A_397 : memref<1x800xi32, #tpu.memory_space<hbm>> -> memref<800xi32, #tpu.memory_space<hbm>>
      tpu.wait_dma2 semaphore(%run_scoped3A_378 : memref<!tpu.dma_semaphore, #tpu.memory_space<semaphore_mem>>) src(%dma_wait3A_398 : memref<800xi32, #tpu.memory_space<hbm>>) dst(%dma_wait3A_396 : memref<800xi32, #tpu.memory_space<vmem>>)
      tpu.yield
    }) : () -> ()
    %dma_start3A = arith.constant 0 : i32
    %dma_start3A_37 = arith.constant 0 : i32
    %dma_start3A_38 = arith.constant 0 : i32
    %dma_start3A_39 = arith.constant 0 : i32
    %dma_start3A_40 = tpu.memref_slice %arg6[%dma_start3A_37, %dma_start3A_38, %dma_start3A_39] : memref<2x800x64xf32, #tpu.memory_space<vmem>> -> memref<1x800x64xf32, #tpu.memory_space<vmem>>
    %dma_start3A_41 = tpu.memref_squeeze %dma_start3A_40 : memref<1x800x64xf32, #tpu.memory_space<vmem>> -> memref<800x64xf32, #tpu.memory_space<vmem>>
    %dma_start3A_42 = arith.constant 0 : i32
    %dma_start3A_43 = tpu.memref_slice %arg5[%dma_start3A, %dma_start3A_42] : memref<2x800xi32, #tpu.memory_space<vmem>> -> memref<1x800xi32, #tpu.memory_space<vmem>>
    %dma_start3A_44 = tpu.memref_squeeze %dma_start3A_43 : memref<1x800xi32, #tpu.memory_space<vmem>> -> memref<800xi32, #tpu.memory_space<vmem>>
    %dma_start3A_45 = arith.constant 0 : i32
    %dma_start3A_46 = arith.constant 0 : i32
    %dma_start3A_47 = tpu.memref_slice %arg3[%dma_start3A_45, %dma_start3A_46] : memref<100000x64xf32, #tpu.memory_space<hbm>> -> memref<100000x64xf32, #tpu.memory_space<hbm>>
    tpu.enqueue_indirect_dma source(%dma_start3A_47 : memref<100000x64xf32, #tpu.memory_space<hbm>>) target(%dma_start3A_41 : memref<800x64xf32, #tpu.memory_space<vmem>>) offsets(%dma_start3A_44 : memref<800xi32, #tpu.memory_space<vmem>>) semaphore(%arg7 : memref<!tpu.dma_semaphore, #tpu.memory_space<semaphore_mem>>)
    %add3A_48 = arith.constant 51200 : i32
    %add3A_49 = arith.addi %add3A_48, %mul3A_2 : i32
    %add3A_50 = arith.constant 0 : i32
    %add3A_51 = arith.addi %add3A_49, %add3A_50 : i32
    %jit3A_52 = arith.constant 12800 : i32
    %div3A_53 = arith.divsi %add3A_51, %jit3A_52 : i32
    %sign3A_54 = arith.constant 0 : i32
    %sign3A_55 = arith.cmpi sgt, %add3A_51, %sign3A_54 : i32
    %sign3A_56 = arith.extui %sign3A_55 : i1 to i32
    %sign3A_57 = arith.constant 0 : i32
    %sign3A_58 = arith.cmpi slt, %add3A_51, %sign3A_57 : i32
    %sign3A_59 = arith.extui %sign3A_58 : i1 to i32
    %sign3A_60 = arith.subi %sign3A_56, %sign3A_59 : i32
    %sign3A_61 = arith.constant 0 : i32
    %sign3A_62 = arith.cmpi sgt, %jit3A_52, %sign3A_61 : i32
    %sign3A_63 = arith.extui %sign3A_62 : i1 to i32
    %sign3A_64 = arith.constant 0 : i32
    %sign3A_65 = arith.cmpi slt, %jit3A_52, %sign3A_64 : i32
    %sign3A_66 = arith.extui %sign3A_65 : i1 to i32
    %sign3A_67 = arith.subi %sign3A_63, %sign3A_66 : i32
    %ne3A_68 = arith.cmpi ne, %sign3A_60, %sign3A_67 : i32
    %rem3A_69 = arith.remsi %add3A_51, %jit3A_52 : i32
    %ne3A_70 = arith.constant 0 : i32
    %ne3A_71 = arith.cmpi ne, %rem3A_69, %ne3A_70 : i32
    %and3A_72 = arith.andi %ne3A_68, %ne3A_71 : i1
    %sub3A_73 = arith.constant 1 : i32
    %sub3A_74 = arith.subi %div3A_53, %sub3A_73 : i32
    %select_n3A_75 = arith.select %and3A_72, %sub3A_74, %div3A_53 : i32
    %jit3A_76 = arith.constant 12800 : i32
    %eq3A_77 = arith.constant 0 : i32
    %eq3A_78 = arith.cmpi eq, %jit3A_76, %eq3A_77 : i32
    %jit3A_79 = arith.constant 1 : i32
    %select_n3A_80 = arith.select %eq3A_78, %jit3A_79, %jit3A_76 : i32
    %rem3A_81 = arith.remsi %add3A_51, %select_n3A_80 : i32
    %ne3A_82 = arith.constant 0 : i32
    %ne3A_83 = arith.cmpi ne, %rem3A_81, %ne3A_82 : i32
    %lt3A_84 = arith.constant 0 : i32
    %lt3A_85 = arith.cmpi slt, %rem3A_81, %lt3A_84 : i32
    %lt3A_86 = arith.constant 0 : i32
    %lt3A_87 = arith.cmpi slt, %select_n3A_80, %lt3A_86 : i32
    %ne3A_88 = arith.xori %lt3A_85, %lt3A_87 : i1
    %and3A_89 = arith.andi %ne3A_88, %ne3A_83 : i1
    %add3A_90 = arith.addi %rem3A_81, %select_n3A_80 : i32
    %select_n3A_91 = arith.select %and3A_89, %add3A_90, %rem3A_81 : i32
    %run_scoped3A_92 = arith.constant 1 : i32
    "tpu.region"() ({
      %run_scoped3A_378 = tpu.sem_alloc : memref<!tpu.dma_semaphore, #tpu.memory_space<semaphore_mem>>
      %dma_start3A_379 = arith.constant 0 : i32
      %dma_start3A_380 = tpu.memref_slice %arg5[%run_scoped3A_92, %dma_start3A_379] : memref<2x800xi32, #tpu.memory_space<vmem>> -> memref<1x800xi32, #tpu.memory_space<vmem>>
      %dma_start3A_381 = tpu.memref_squeeze %dma_start3A_380 : memref<1x800xi32, #tpu.memory_space<vmem>> -> memref<800xi32, #tpu.memory_space<vmem>>
      %dma_start3A_382 = tpu.memref_slice %arg2[%select_n3A_75, %select_n3A_91] : memref<8x12800xi32, #tpu.memory_space<hbm>> -> memref<1x800xi32, #tpu.memory_space<hbm>>
      %dma_start3A_383 = tpu.memref_squeeze %dma_start3A_382 : memref<1x800xi32, #tpu.memory_space<hbm>> -> memref<800xi32, #tpu.memory_space<hbm>>
      %dma_start3A_384 = arith.constant 0 : i32
      %dma_start3A_385 = tpu.memref_slice %arg5[%run_scoped3A_92, %dma_start3A_384] : memref<2x800xi32, #tpu.memory_space<vmem>> -> memref<1x800xi32, #tpu.memory_space<vmem>>
      %dma_start3A_386 = tpu.memref_squeeze %dma_start3A_385 : memref<1x800xi32, #tpu.memory_space<vmem>> -> memref<800xi32, #tpu.memory_space<vmem>>
      %dma_start3A_387 = tpu.memref_slice %arg2[%select_n3A_75, %select_n3A_91] : memref<8x12800xi32, #tpu.memory_space<hbm>> -> memref<1x800xi32, #tpu.memory_space<hbm>>
      %dma_start3A_388 = tpu.memref_squeeze %dma_start3A_387 : memref<1x800xi32, #tpu.memory_space<hbm>> -> memref<800xi32, #tpu.memory_space<hbm>>
      tpu.enqueue_dma source(%dma_start3A_388 : memref<800xi32, #tpu.memory_space<hbm>>) target(%dma_start3A_386 : memref<800xi32, #tpu.memory_space<vmem>>) target_semaphore(%run_scoped3A_378 : memref<!tpu.dma_semaphore, #tpu.memory_space<semaphore_mem>>)
      %dma_wait3A_389 = arith.constant 0 : i32
      %dma_wait3A_390 = tpu.memref_slice %arg5[%run_scoped3A_92, %dma_wait3A_389] : memref<2x800xi32, #tpu.memory_space<vmem>> -> memref<1x800xi32, #tpu.memory_space<vmem>>
      %dma_wait3A_391 = tpu.memref_squeeze %dma_wait3A_390 : memref<1x800xi32, #tpu.memory_space<vmem>> -> memref<800xi32, #tpu.memory_space<vmem>>
      %dma_wait3A_392 = tpu.memref_slice %arg2[%select_n3A_75, %select_n3A_91] : memref<8x12800xi32, #tpu.memory_space<hbm>> -> memref<1x800xi32, #tpu.memory_space<hbm>>
      %dma_wait3A_393 = tpu.memref_squeeze %dma_wait3A_392 : memref<1x800xi32, #tpu.memory_space<hbm>> -> memref<800xi32, #tpu.memory_space<hbm>>
      %dma_wait3A_394 = arith.constant 0 : i32
      %dma_wait3A_395 = tpu.memref_slice %arg5[%run_scoped3A_92, %dma_wait3A_394] : memref<2x800xi32, #tpu.memory_space<vmem>> -> memref<1x800xi32, #tpu.memory_space<vmem>>
      %dma_wait3A_396 = tpu.memref_squeeze %dma_wait3A_395 : memref<1x800xi32, #tpu.memory_space<vmem>> -> memref<800xi32, #tpu.memory_space<vmem>>
      %dma_wait3A_397 = tpu.memref_slice %arg2[%select_n3A_75, %select_n3A_91] : memref<8x12800xi32, #tpu.memory_space<hbm>> -> memref<1x800xi32, #tpu.memory_space<hbm>>
      %dma_wait3A_398 = tpu.memref_squeeze %dma_wait3A_397 : memref<1x800xi32, #tpu.memory_space<hbm>> -> memref<800xi32, #tpu.memory_space<hbm>>
      tpu.wait_dma2 semaphore(%run_scoped3A_378 : memref<!tpu.dma_semaphore, #tpu.memory_space<semaphore_mem>>) src(%dma_wait3A_398 : memref<800xi32, #tpu.memory_space<hbm>>) dst(%dma_wait3A_396 : memref<800xi32, #tpu.memory_space<vmem>>)
      tpu.yield
    }) : () -> ()
    %dma_start3A_93 = arith.constant 1 : i32
    %dma_start3A_94 = arith.constant 1 : i32
    %dma_start3A_95 = arith.constant 0 : i32
    %dma_start3A_96 = arith.constant 0 : i32
    %dma_start3A_97 = tpu.memref_slice %arg6[%dma_start3A_94, %dma_start3A_95, %dma_start3A_96] : memref<2x800x64xf32, #tpu.memory_space<vmem>> -> memref<1x800x64xf32, #tpu.memory_space<vmem>>
    %dma_start3A_98 = tpu.memref_squeeze %dma_start3A_97 : memref<1x800x64xf32, #tpu.memory_space<vmem>> -> memref<800x64xf32, #tpu.memory_space<vmem>>
    %dma_start3A_99 = arith.constant 0 : i32
    %dma_start3A_100 = tpu.memref_slice %arg5[%dma_start3A_93, %dma_start3A_99] : memref<2x800xi32, #tpu.memory_space<vmem>> -> memref<1x800xi32, #tpu.memory_space<vmem>>
    %dma_start3A_101 = tpu.memref_squeeze %dma_start3A_100 : memref<1x800xi32, #tpu.memory_space<vmem>> -> memref<800xi32, #tpu.memory_space<vmem>>
    %dma_start3A_102 = arith.constant 0 : i32
    %dma_start3A_103 = arith.constant 0 : i32
    %dma_start3A_104 = tpu.memref_slice %arg3[%dma_start3A_102, %dma_start3A_103] : memref<100000x64xf32, #tpu.memory_space<hbm>> -> memref<100000x64xf32, #tpu.memory_space<hbm>>
    tpu.enqueue_indirect_dma source(%dma_start3A_104 : memref<100000x64xf32, #tpu.memory_space<hbm>>) target(%dma_start3A_98 : memref<800x64xf32, #tpu.memory_space<vmem>>) offsets(%dma_start3A_101 : memref<800xi32, #tpu.memory_space<vmem>>) semaphore(%arg8 : memref<!tpu.dma_semaphore, #tpu.memory_space<semaphore_mem>>)
    %dma_wait3A = arith.constant 0 : i32
    %dma_wait3A_105 = arith.constant 0 : i32
    %dma_wait3A_106 = arith.constant 0 : i32
    %dma_wait3A_107 = arith.constant 0 : i32
    %dma_wait3A_108 = tpu.memref_slice %arg6[%dma_wait3A_105, %dma_wait3A_106, %dma_wait3A_107] : memref<2x800x64xf32, #tpu.memory_space<vmem>> -> memref<1x800x64xf32, #tpu.memory_space<vmem>>
    %dma_wait3A_109 = tpu.memref_squeeze %dma_wait3A_108 : memref<1x800x64xf32, #tpu.memory_space<vmem>> -> memref<800x64xf32, #tpu.memory_space<vmem>>
    %dma_wait3A_110 = arith.constant 0 : i32
    %dma_wait3A_111 = tpu.memref_slice %arg5[%dma_wait3A, %dma_wait3A_110] : memref<2x800xi32, #tpu.memory_space<vmem>> -> memref<1x800xi32, #tpu.memory_space<vmem>>
    %dma_wait3A_112 = tpu.memref_squeeze %dma_wait3A_111 : memref<1x800xi32, #tpu.memory_space<vmem>> -> memref<800xi32, #tpu.memory_space<vmem>>
    %dma_wait3A_113 = arith.constant 0 : i32
    %dma_wait3A_114 = arith.constant 0 : i32
    %dma_wait3A_115 = tpu.memref_slice %arg3[%dma_wait3A_113, %dma_wait3A_114] : memref<100000x64xf32, #tpu.memory_space<hbm>> -> memref<100000x64xf32, #tpu.memory_space<hbm>>
    tpu.wait_indirect_dma semaphore(%arg7 : memref<!tpu.dma_semaphore, #tpu.memory_space<semaphore_mem>>) src(%dma_wait3A_115 : memref<100000x64xf32, #tpu.memory_space<hbm>>) dst(%dma_wait3A_109 : memref<800x64xf32, #tpu.memory_space<vmem>>)
    %add3A_116 = arith.constant 0 : i32
    %add3A_117 = arith.addi %mul3A_2, %add3A_116 : i32
    %dma_start3A_118 = arith.constant 0 : i32
    %dma_start3A_119 = arith.constant 0 : i32
    %dma_start3A_120 = arith.constant 0 : i32
    %dma_start3A_121 = tpu.memref_slice %arg6[%dma_start3A_118, %dma_start3A_119, %dma_start3A_120] : memref<2x800x64xf32, #tpu.memory_space<vmem>> -> memref<1x800x64xf32, #tpu.memory_space<vmem>>
    %dma_start3A_122 = tpu.memref_squeeze %dma_start3A_121 : memref<1x800x64xf32, #tpu.memory_space<vmem>> -> memref<800x64xf32, #tpu.memory_space<vmem>>
    %dma_start3A_123 = arith.constant 0 : i32
    %dma_start3A_124 = tpu.memref_slice %arg4[%add3A_117, %dma_start3A_123] : memref<51200x128xf32, #tpu.memory_space<hbm>> -> memref<800x64xf32, #tpu.memory_space<hbm>>
    %dma_start3A_125 = arith.constant 0 : i32
    %dma_start3A_126 = tpu.memref_slice %arg4[%add3A_117, %dma_start3A_125] : memref<51200x128xf32, #tpu.memory_space<hbm>> -> memref<800x64xf32, #tpu.memory_space<hbm>>
    %dma_start3A_127 = arith.constant 0 : i32
    %dma_start3A_128 = arith.constant 0 : i32
    %dma_start3A_129 = tpu.memref_slice %arg6[%dma_start3A_118, %dma_start3A_127, %dma_start3A_128] : memref<2x800x64xf32, #tpu.memory_space<vmem>> -> memref<1x800x64xf32, #tpu.memory_space<vmem>>
    %dma_start3A_130 = tpu.memref_squeeze %dma_start3A_129 : memref<1x800x64xf32, #tpu.memory_space<vmem>> -> memref<800x64xf32, #tpu.memory_space<vmem>>
    tpu.enqueue_dma source(%dma_start3A_130 : memref<800x64xf32, #tpu.memory_space<vmem>>) target(%dma_start3A_126 : memref<800x64xf32, #tpu.memory_space<hbm>>) target_semaphore(%arg9 : memref<!tpu.dma_semaphore, #tpu.memory_space<semaphore_mem>>)
    %dma_wait3A_131 = arith.constant 0 : i32
    %dma_wait3A_132 = arith.constant 0 : i32
    %dma_wait3A_133 = arith.constant 0 : i32
    %dma_wait3A_134 = tpu.memref_slice %arg6[%dma_wait3A_131, %dma_wait3A_132, %dma_wait3A_133] : memref<2x800x64xf32, #tpu.memory_space<vmem>> -> memref<1x800x64xf32, #tpu.memory_space<vmem>>
    %dma_wait3A_135 = tpu.memref_squeeze %dma_wait3A_134 : memref<1x800x64xf32, #tpu.memory_space<vmem>> -> memref<800x64xf32, #tpu.memory_space<vmem>>
    %dma_wait3A_136 = arith.constant 0 : i32
    %dma_wait3A_137 = tpu.memref_slice %arg4[%add3A_117, %dma_wait3A_136] : memref<51200x128xf32, #tpu.memory_space<hbm>> -> memref<800x64xf32, #tpu.memory_space<hbm>>
    %dma_wait3A_138 = arith.constant 0 : i32
    %dma_wait3A_139 = tpu.memref_slice %arg4[%add3A_117, %dma_wait3A_138] : memref<51200x128xf32, #tpu.memory_space<hbm>> -> memref<800x64xf32, #tpu.memory_space<hbm>>
    %dma_wait3A_140 = arith.constant 0 : i32
    %dma_wait3A_141 = arith.constant 0 : i32
    %dma_wait3A_142 = tpu.memref_slice %arg6[%dma_wait3A_131, %dma_wait3A_140, %dma_wait3A_141] : memref<2x800x64xf32, #tpu.memory_space<vmem>> -> memref<1x800x64xf32, #tpu.memory_space<vmem>>
    %dma_wait3A_143 = tpu.memref_squeeze %dma_wait3A_142 : memref<1x800x64xf32, #tpu.memory_space<vmem>> -> memref<800x64xf32, #tpu.memory_space<vmem>>
    tpu.wait_dma2 semaphore(%arg9 : memref<!tpu.dma_semaphore, #tpu.memory_space<semaphore_mem>>) src(%dma_wait3A_143 : memref<800x64xf32, #tpu.memory_space<vmem>>) dst(%dma_wait3A_139 : memref<800x64xf32, #tpu.memory_space<hbm>>)
    %add3A_144 = arith.constant 0 : i32
    %add3A_145 = arith.addi %add3A_144, %mul3A_2 : i32
    %add3A_146 = arith.constant 800 : i32
    %add3A_147 = arith.addi %add3A_145, %add3A_146 : i32
    %jit3A_148 = arith.constant 12800 : i32
    %div3A_149 = arith.divsi %add3A_147, %jit3A_148 : i32
    %sign3A_150 = arith.constant 0 : i32
    %sign3A_151 = arith.cmpi sgt, %add3A_147, %sign3A_150 : i32
    %sign3A_152 = arith.extui %sign3A_151 : i1 to i32
    %sign3A_153 = arith.constant 0 : i32
    %sign3A_154 = arith.cmpi slt, %add3A_147, %sign3A_153 : i32
    %sign3A_155 = arith.extui %sign3A_154 : i1 to i32
    %sign3A_156 = arith.subi %sign3A_152, %sign3A_155 : i32
    %sign3A_157 = arith.constant 0 : i32
    %sign3A_158 = arith.cmpi sgt, %jit3A_148, %sign3A_157 : i32
    %sign3A_159 = arith.extui %sign3A_158 : i1 to i32
    %sign3A_160 = arith.constant 0 : i32
    %sign3A_161 = arith.cmpi slt, %jit3A_148, %sign3A_160 : i32
    %sign3A_162 = arith.extui %sign3A_161 : i1 to i32
    %sign3A_163 = arith.subi %sign3A_159, %sign3A_162 : i32
    %ne3A_164 = arith.cmpi ne, %sign3A_156, %sign3A_163 : i32
    %rem3A_165 = arith.remsi %add3A_147, %jit3A_148 : i32
    %ne3A_166 = arith.constant 0 : i32
    %ne3A_167 = arith.cmpi ne, %rem3A_165, %ne3A_166 : i32
    %and3A_168 = arith.andi %ne3A_164, %ne3A_167 : i1
    %sub3A_169 = arith.constant 1 : i32
    %sub3A_170 = arith.subi %div3A_149, %sub3A_169 : i32
    %select_n3A_171 = arith.select %and3A_168, %sub3A_170, %div3A_149 : i32
    %jit3A_172 = arith.constant 12800 : i32
    %eq3A_173 = arith.constant 0 : i32
    %eq3A_174 = arith.cmpi eq, %jit3A_172, %eq3A_173 : i32
    %jit3A_175 = arith.constant 1 : i32
    %select_n3A_176 = arith.select %eq3A_174, %jit3A_175, %jit3A_172 : i32
    %rem3A_177 = arith.remsi %add3A_147, %select_n3A_176 : i32
    %ne3A_178 = arith.constant 0 : i32
    %ne3A_179 = arith.cmpi ne, %rem3A_177, %ne3A_178 : i32
    %lt3A_180 = arith.constant 0 : i32
    %lt3A_181 = arith.cmpi slt, %rem3A_177, %lt3A_180 : i32
    %lt3A_182 = arith.constant 0 : i32
    %lt3A_183 = arith.cmpi slt, %select_n3A_176, %lt3A_182 : i32
    %ne3A_184 = arith.xori %lt3A_181, %lt3A_183 : i1
    %and3A_185 = arith.andi %ne3A_184, %ne3A_179 : i1
    %add3A_186 = arith.addi %rem3A_177, %select_n3A_176 : i32
    %select_n3A_187 = arith.select %and3A_185, %add3A_186, %rem3A_177 : i32
    %run_scoped3A_188 = arith.constant 0 : i32
    "tpu.region"() ({
      %run_scoped3A_378 = tpu.sem_alloc : memref<!tpu.dma_semaphore, #tpu.memory_space<semaphore_mem>>
      %dma_start3A_379 = arith.constant 0 : i32
      %dma_start3A_380 = tpu.memref_slice %arg5[%run_scoped3A_188, %dma_start3A_379] : memref<2x800xi32, #tpu.memory_space<vmem>> -> memref<1x800xi32, #tpu.memory_space<vmem>>
      %dma_start3A_381 = tpu.memref_squeeze %dma_start3A_380 : memref<1x800xi32, #tpu.memory_space<vmem>> -> memref<800xi32, #tpu.memory_space<vmem>>
      %dma_start3A_382 = tpu.memref_slice %arg2[%select_n3A_171, %select_n3A_187] : memref<8x12800xi32, #tpu.memory_space<hbm>> -> memref<1x800xi32, #tpu.memory_space<hbm>>
      %dma_start3A_383 = tpu.memref_squeeze %dma_start3A_382 : memref<1x800xi32, #tpu.memory_space<hbm>> -> memref<800xi32, #tpu.memory_space<hbm>>
      %dma_start3A_384 = arith.constant 0 : i32
      %dma_start3A_385 = tpu.memref_slice %arg5[%run_scoped3A_188, %dma_start3A_384] : memref<2x800xi32, #tpu.memory_space<vmem>> -> memref<1x800xi32, #tpu.memory_space<vmem>>
      %dma_start3A_386 = tpu.memref_squeeze %dma_start3A_385 : memref<1x800xi32, #tpu.memory_space<vmem>> -> memref<800xi32, #tpu.memory_space<vmem>>
      %dma_start3A_387 = tpu.memref_slice %arg2[%select_n3A_171, %select_n3A_187] : memref<8x12800xi32, #tpu.memory_space<hbm>> -> memref<1x800xi32, #tpu.memory_space<hbm>>
      %dma_start3A_388 = tpu.memref_squeeze %dma_start3A_387 : memref<1x800xi32, #tpu.memory_space<hbm>> -> memref<800xi32, #tpu.memory_space<hbm>>
      tpu.enqueue_dma source(%dma_start3A_388 : memref<800xi32, #tpu.memory_space<hbm>>) target(%dma_start3A_386 : memref<800xi32, #tpu.memory_space<vmem>>) target_semaphore(%run_scoped3A_378 : memref<!tpu.dma_semaphore, #tpu.memory_space<semaphore_mem>>)
      %dma_wait3A_389 = arith.constant 0 : i32
      %dma_wait3A_390 = tpu.memref_slice %arg5[%run_scoped3A_188, %dma_wait3A_389] : memref<2x800xi32, #tpu.memory_space<vmem>> -> memref<1x800xi32, #tpu.memory_space<vmem>>
      %dma_wait3A_391 = tpu.memref_squeeze %dma_wait3A_390 : memref<1x800xi32, #tpu.memory_space<vmem>> -> memref<800xi32, #tpu.memory_space<vmem>>
      %dma_wait3A_392 = tpu.memref_slice %arg2[%select_n3A_171, %select_n3A_187] : memref<8x12800xi32, #tpu.memory_space<hbm>> -> memref<1x800xi32, #tpu.memory_space<hbm>>
      %dma_wait3A_393 = tpu.memref_squeeze %dma_wait3A_392 : memref<1x800xi32, #tpu.memory_space<hbm>> -> memref<800xi32, #tpu.memory_space<hbm>>
      %dma_wait3A_394 = arith.constant 0 : i32
      %dma_wait3A_395 = tpu.memref_slice %arg5[%run_scoped3A_188, %dma_wait3A_394] : memref<2x800xi32, #tpu.memory_space<vmem>> -> memref<1x800xi32, #tpu.memory_space<vmem>>
      %dma_wait3A_396 = tpu.memref_squeeze %dma_wait3A_395 : memref<1x800xi32, #tpu.memory_space<vmem>> -> memref<800xi32, #tpu.memory_space<vmem>>
      %dma_wait3A_397 = tpu.memref_slice %arg2[%select_n3A_171, %select_n3A_187] : memref<8x12800xi32, #tpu.memory_space<hbm>> -> memref<1x800xi32, #tpu.memory_space<hbm>>
      %dma_wait3A_398 = tpu.memref_squeeze %dma_wait3A_397 : memref<1x800xi32, #tpu.memory_space<hbm>> -> memref<800xi32, #tpu.memory_space<hbm>>
      tpu.wait_dma2 semaphore(%run_scoped3A_378 : memref<!tpu.dma_semaphore, #tpu.memory_space<semaphore_mem>>) src(%dma_wait3A_398 : memref<800xi32, #tpu.memory_space<hbm>>) dst(%dma_wait3A_396 : memref<800xi32, #tpu.memory_space<vmem>>)
      tpu.yield
    }) : () -> ()
    %dma_start3A_189 = arith.constant 0 : i32
    %dma_start3A_190 = arith.constant 0 : i32
    %dma_start3A_191 = arith.constant 0 : i32
    %dma_start3A_192 = arith.constant 0 : i32
    %dma_start3A_193 = tpu.memref_slice %arg6[%dma_start3A_190, %dma_start3A_191, %dma_start3A_192] : memref<2x800x64xf32, #tpu.memory_space<vmem>> -> memref<1x800x64xf32, #tpu.memory_space<vmem>>
    %dma_start3A_194 = tpu.memref_squeeze %dma_start3A_193 : memref<1x800x64xf32, #tpu.memory_space<vmem>> -> memref<800x64xf32, #tpu.memory_space<vmem>>
    %dma_start3A_195 = arith.constant 0 : i32
    %dma_start3A_196 = tpu.memref_slice %arg5[%dma_start3A_189, %dma_start3A_195] : memref<2x800xi32, #tpu.memory_space<vmem>> -> memref<1x800xi32, #tpu.memory_space<vmem>>
    %dma_start3A_197 = tpu.memref_squeeze %dma_start3A_196 : memref<1x800xi32, #tpu.memory_space<vmem>> -> memref<800xi32, #tpu.memory_space<vmem>>
    %dma_start3A_198 = arith.constant 0 : i32
    %dma_start3A_199 = arith.constant 0 : i32
    %dma_start3A_200 = tpu.memref_slice %arg3[%dma_start3A_198, %dma_start3A_199] : memref<100000x64xf32, #tpu.memory_space<hbm>> -> memref<100000x64xf32, #tpu.memory_space<hbm>>
    tpu.enqueue_indirect_dma source(%dma_start3A_200 : memref<100000x64xf32, #tpu.memory_space<hbm>>) target(%dma_start3A_194 : memref<800x64xf32, #tpu.memory_space<vmem>>) offsets(%dma_start3A_197 : memref<800xi32, #tpu.memory_space<vmem>>) semaphore(%arg7 : memref<!tpu.dma_semaphore, #tpu.memory_space<semaphore_mem>>)
    %dma_wait3A_201 = arith.constant 1 : i32
    %dma_wait3A_202 = arith.constant 1 : i32
    %dma_wait3A_203 = arith.constant 0 : i32
    %dma_wait3A_204 = arith.constant 0 : i32
    %dma_wait3A_205 = tpu.memref_slice %arg6[%dma_wait3A_202, %dma_wait3A_203, %dma_wait3A_204] : memref<2x800x64xf32, #tpu.memory_space<vmem>> -> memref<1x800x64xf32, #tpu.memory_space<vmem>>
    %dma_wait3A_206 = tpu.memref_squeeze %dma_wait3A_205 : memref<1x800x64xf32, #tpu.memory_space<vmem>> -> memref<800x64xf32, #tpu.memory_space<vmem>>
    %dma_wait3A_207 = arith.constant 0 : i32
    %dma_wait3A_208 = tpu.memref_slice %arg5[%dma_wait3A_201, %dma_wait3A_207] : memref<2x800xi32, #tpu.memory_space<vmem>> -> memref<1x800xi32, #tpu.memory_space<vmem>>
    %dma_wait3A_209 = tpu.memref_squeeze %dma_wait3A_208 : memref<1x800xi32, #tpu.memory_space<vmem>> -> memref<800xi32, #tpu.memory_space<vmem>>
    %dma_wait3A_210 = arith.constant 0 : i32
    %dma_wait3A_211 = arith.constant 0 : i32
    %dma_wait3A_212 = tpu.memref_slice %arg3[%dma_wait3A_210, %dma_wait3A_211] : memref<100000x64xf32, #tpu.memory_space<hbm>> -> memref<100000x64xf32, #tpu.memory_space<hbm>>
    tpu.wait_indirect_dma semaphore(%arg8 : memref<!tpu.dma_semaphore, #tpu.memory_space<semaphore_mem>>) src(%dma_wait3A_212 : memref<100000x64xf32, #tpu.memory_space<hbm>>) dst(%dma_wait3A_206 : memref<800x64xf32, #tpu.memory_space<vmem>>)
    %add3A_213 = arith.constant 0 : i32
    %add3A_214 = arith.addi %mul3A_2, %add3A_213 : i32
    %dma_start3A_215 = arith.constant 1 : i32
    %dma_start3A_216 = arith.constant 0 : i32
    %dma_start3A_217 = arith.constant 0 : i32
    %dma_start3A_218 = tpu.memref_slice %arg6[%dma_start3A_215, %dma_start3A_216, %dma_start3A_217] : memref<2x800x64xf32, #tpu.memory_space<vmem>> -> memref<1x800x64xf32, #tpu.memory_space<vmem>>
    %dma_start3A_219 = tpu.memref_squeeze %dma_start3A_218 : memref<1x800x64xf32, #tpu.memory_space<vmem>> -> memref<800x64xf32, #tpu.memory_space<vmem>>
    %dma_start3A_220 = arith.constant 64 : i32
    %dma_start3A_221 = tpu.memref_slice %arg4[%add3A_214, %dma_start3A_220] : memref<51200x128xf32, #tpu.memory_space<hbm>> -> memref<800x64xf32, #tpu.memory_space<hbm>>
    %dma_start3A_222 = arith.constant 64 : i32
    %dma_start3A_223 = tpu.memref_slice %arg4[%add3A_214, %dma_start3A_222] : memref<51200x128xf32, #tpu.memory_space<hbm>> -> memref<800x64xf32, #tpu.memory_space<hbm>>
    %dma_start3A_224 = arith.constant 0 : i32
    %dma_start3A_225 = arith.constant 0 : i32
    %dma_start3A_226 = tpu.memref_slice %arg6[%dma_start3A_215, %dma_start3A_224, %dma_start3A_225] : memref<2x800x64xf32, #tpu.memory_space<vmem>> -> memref<1x800x64xf32, #tpu.memory_space<vmem>>
    %dma_start3A_227 = tpu.memref_squeeze %dma_start3A_226 : memref<1x800x64xf32, #tpu.memory_space<vmem>> -> memref<800x64xf32, #tpu.memory_space<vmem>>
    tpu.enqueue_dma source(%dma_start3A_227 : memref<800x64xf32, #tpu.memory_space<vmem>>) target(%dma_start3A_223 : memref<800x64xf32, #tpu.memory_space<hbm>>) target_semaphore(%arg10 : memref<!tpu.dma_semaphore, #tpu.memory_space<semaphore_mem>>)
    %dma_wait3A_228 = arith.constant 1 : i32
    %dma_wait3A_229 = arith.constant 0 : i32
    %dma_wait3A_230 = arith.constant 0 : i32
    %dma_wait3A_231 = tpu.memref_slice %arg6[%dma_wait3A_228, %dma_wait3A_229, %dma_wait3A_230] : memref<2x800x64xf32, #tpu.memory_space<vmem>> -> memref<1x800x64xf32, #tpu.memory_space<vmem>>
    %dma_wait3A_232 = tpu.memref_squeeze %dma_wait3A_231 : memref<1x800x64xf32, #tpu.memory_space<vmem>> -> memref<800x64xf32, #tpu.memory_space<vmem>>
    %dma_wait3A_233 = arith.constant 64 : i32
    %dma_wait3A_234 = tpu.memref_slice %arg4[%add3A_214, %dma_wait3A_233] : memref<51200x128xf32, #tpu.memory_space<hbm>> -> memref<800x64xf32, #tpu.memory_space<hbm>>
    %dma_wait3A_235 = arith.constant 64 : i32
    %dma_wait3A_236 = tpu.memref_slice %arg4[%add3A_214, %dma_wait3A_235] : memref<51200x128xf32, #tpu.memory_space<hbm>> -> memref<800x64xf32, #tpu.memory_space<hbm>>
    %dma_wait3A_237 = arith.constant 0 : i32
    %dma_wait3A_238 = arith.constant 0 : i32
    %dma_wait3A_239 = tpu.memref_slice %arg6[%dma_wait3A_228, %dma_wait3A_237, %dma_wait3A_238] : memref<2x800x64xf32, #tpu.memory_space<vmem>> -> memref<1x800x64xf32, #tpu.memory_space<vmem>>
    %dma_wait3A_240 = tpu.memref_squeeze %dma_wait3A_239 : memref<1x800x64xf32, #tpu.memory_space<vmem>> -> memref<800x64xf32, #tpu.memory_space<vmem>>
    tpu.wait_dma2 semaphore(%arg10 : memref<!tpu.dma_semaphore, #tpu.memory_space<semaphore_mem>>) src(%dma_wait3A_240 : memref<800x64xf32, #tpu.memory_space<vmem>>) dst(%dma_wait3A_236 : memref<800x64xf32, #tpu.memory_space<hbm>>)
    %add3A_241 = arith.constant 51200 : i32
    %add3A_242 = arith.addi %add3A_241, %mul3A_2 : i32
    %add3A_243 = arith.constant 800 : i32
    %add3A_244 = arith.addi %add3A_242, %add3A_243 : i32
    %jit3A_245 = arith.constant 12800 : i32
    %div3A_246 = arith.divsi %add3A_244, %jit3A_245 : i32
    %sign3A_247 = arith.constant 0 : i32
    %sign3A_248 = arith.cmpi sgt, %add3A_244, %sign3A_247 : i32
    %sign3A_249 = arith.extui %sign3A_248 : i1 to i32
    %sign3A_250 = arith.constant 0 : i32
    %sign3A_251 = arith.cmpi slt, %add3A_244, %sign3A_250 : i32
    %sign3A_252 = arith.extui %sign3A_251 : i1 to i32
    %sign3A_253 = arith.subi %sign3A_249, %sign3A_252 : i32
    %sign3A_254 = arith.constant 0 : i32
    %sign3A_255 = arith.cmpi sgt, %jit3A_245, %sign3A_254 : i32
    %sign3A_256 = arith.extui %sign3A_255 : i1 to i32
    %sign3A_257 = arith.constant 0 : i32
    %sign3A_258 = arith.cmpi slt, %jit3A_245, %sign3A_257 : i32
    %sign3A_259 = arith.extui %sign3A_258 : i1 to i32
    %sign3A_260 = arith.subi %sign3A_256, %sign3A_259 : i32
    %ne3A_261 = arith.cmpi ne, %sign3A_253, %sign3A_260 : i32
    %rem3A_262 = arith.remsi %add3A_244, %jit3A_245 : i32
    %ne3A_263 = arith.constant 0 : i32
    %ne3A_264 = arith.cmpi ne, %rem3A_262, %ne3A_263 : i32
    %and3A_265 = arith.andi %ne3A_261, %ne3A_264 : i1
    %sub3A_266 = arith.constant 1 : i32
    %sub3A_267 = arith.subi %div3A_246, %sub3A_266 : i32
    %select_n3A_268 = arith.select %and3A_265, %sub3A_267, %div3A_246 : i32
    %jit3A_269 = arith.constant 12800 : i32
    %eq3A_270 = arith.constant 0 : i32
    %eq3A_271 = arith.cmpi eq, %jit3A_269, %eq3A_270 : i32
    %jit3A_272 = arith.constant 1 : i32
    %select_n3A_273 = arith.select %eq3A_271, %jit3A_272, %jit3A_269 : i32
    %rem3A_274 = arith.remsi %add3A_244, %select_n3A_273 : i32
    %ne3A_275 = arith.constant 0 : i32
    %ne3A_276 = arith.cmpi ne, %rem3A_274, %ne3A_275 : i32
    %lt3A_277 = arith.constant 0 : i32
    %lt3A_278 = arith.cmpi slt, %rem3A_274, %lt3A_277 : i32
    %lt3A_279 = arith.constant 0 : i32
    %lt3A_280 = arith.cmpi slt, %select_n3A_273, %lt3A_279 : i32
    %ne3A_281 = arith.xori %lt3A_278, %lt3A_280 : i1
    %and3A_282 = arith.andi %ne3A_281, %ne3A_276 : i1
    %add3A_283 = arith.addi %rem3A_274, %select_n3A_273 : i32
    %select_n3A_284 = arith.select %and3A_282, %add3A_283, %rem3A_274 : i32
    %run_scoped3A_285 = arith.constant 1 : i32
    "tpu.region"() ({
      %run_scoped3A_378 = tpu.sem_alloc : memref<!tpu.dma_semaphore, #tpu.memory_space<semaphore_mem>>
      %dma_start3A_379 = arith.constant 0 : i32
      %dma_start3A_380 = tpu.memref_slice %arg5[%run_scoped3A_285, %dma_start3A_379] : memref<2x800xi32, #tpu.memory_space<vmem>> -> memref<1x800xi32, #tpu.memory_space<vmem>>
      %dma_start3A_381 = tpu.memref_squeeze %dma_start3A_380 : memref<1x800xi32, #tpu.memory_space<vmem>> -> memref<800xi32, #tpu.memory_space<vmem>>
      %dma_start3A_382 = tpu.memref_slice %arg2[%select_n3A_268, %select_n3A_284] : memref<8x12800xi32, #tpu.memory_space<hbm>> -> memref<1x800xi32, #tpu.memory_space<hbm>>
      %dma_start3A_383 = tpu.memref_squeeze %dma_start3A_382 : memref<1x800xi32, #tpu.memory_space<hbm>> -> memref<800xi32, #tpu.memory_space<hbm>>
      %dma_start3A_384 = arith.constant 0 : i32
      %dma_start3A_385 = tpu.memref_slice %arg5[%run_scoped3A_285, %dma_start3A_384] : memref<2x800xi32, #tpu.memory_space<vmem>> -> memref<1x800xi32, #tpu.memory_space<vmem>>
      %dma_start3A_386 = tpu.memref_squeeze %dma_start3A_385 : memref<1x800xi32, #tpu.memory_space<vmem>> -> memref<800xi32, #tpu.memory_space<vmem>>
      %dma_start3A_387 = tpu.memref_slice %arg2[%select_n3A_268, %select_n3A_284] : memref<8x12800xi32, #tpu.memory_space<hbm>> -> memref<1x800xi32, #tpu.memory_space<hbm>>
      %dma_start3A_388 = tpu.memref_squeeze %dma_start3A_387 : memref<1x800xi32, #tpu.memory_space<hbm>> -> memref<800xi32, #tpu.memory_space<hbm>>
      tpu.enqueue_dma source(%dma_start3A_388 : memref<800xi32, #tpu.memory_space<hbm>>) target(%dma_start3A_386 : memref<800xi32, #tpu.memory_space<vmem>>) target_semaphore(%run_scoped3A_378 : memref<!tpu.dma_semaphore, #tpu.memory_space<semaphore_mem>>)
      %dma_wait3A_389 = arith.constant 0 : i32
      %dma_wait3A_390 = tpu.memref_slice %arg5[%run_scoped3A_285, %dma_wait3A_389] : memref<2x800xi32, #tpu.memory_space<vmem>> -> memref<1x800xi32, #tpu.memory_space<vmem>>
      %dma_wait3A_391 = tpu.memref_squeeze %dma_wait3A_390 : memref<1x800xi32, #tpu.memory_space<vmem>> -> memref<800xi32, #tpu.memory_space<vmem>>
      %dma_wait3A_392 = tpu.memref_slice %arg2[%select_n3A_268, %select_n3A_284] : memref<8x12800xi32, #tpu.memory_space<hbm>> -> memref<1x800xi32, #tpu.memory_space<hbm>>
      %dma_wait3A_393 = tpu.memref_squeeze %dma_wait3A_392 : memref<1x800xi32, #tpu.memory_space<hbm>> -> memref<800xi32, #tpu.memory_space<hbm>>
      %dma_wait3A_394 = arith.constant 0 : i32
      %dma_wait3A_395 = tpu.memref_slice %arg5[%run_scoped3A_285, %dma_wait3A_394] : memref<2x800xi32, #tpu.memory_space<vmem>> -> memref<1x800xi32, #tpu.memory_space<vmem>>
      %dma_wait3A_396 = tpu.memref_squeeze %dma_wait3A_395 : memref<1x800xi32, #tpu.memory_space<vmem>> -> memref<800xi32, #tpu.memory_space<vmem>>
      %dma_wait3A_397 = tpu.memref_slice %arg2[%select_n3A_268, %select_n3A_284] : memref<8x12800xi32, #tpu.memory_space<hbm>> -> memref<1x800xi32, #tpu.memory_space<hbm>>
      %dma_wait3A_398 = tpu.memref_squeeze %dma_wait3A_397 : memref<1x800xi32, #tpu.memory_space<hbm>> -> memref<800xi32, #tpu.memory_space<hbm>>
      tpu.wait_dma2 semaphore(%run_scoped3A_378 : memref<!tpu.dma_semaphore, #tpu.memory_space<semaphore_mem>>) src(%dma_wait3A_398 : memref<800xi32, #tpu.memory_space<hbm>>) dst(%dma_wait3A_396 : memref<800xi32, #tpu.memory_space<vmem>>)
      tpu.yield
    }) : () -> ()
    %dma_start3A_286 = arith.constant 1 : i32
    %dma_start3A_287 = arith.constant 1 : i32
    %dma_start3A_288 = arith.constant 0 : i32
    %dma_start3A_289 = arith.constant 0 : i32
    %dma_start3A_290 = tpu.memref_slice %arg6[%dma_start3A_287, %dma_start3A_288, %dma_start3A_289] : memref<2x800x64xf32, #tpu.memory_space<vmem>> -> memref<1x800x64xf32, #tpu.memory_space<vmem>>
    %dma_start3A_291 = tpu.memref_squeeze %dma_start3A_290 : memref<1x800x64xf32, #tpu.memory_space<vmem>> -> memref<800x64xf32, #tpu.memory_space<vmem>>
    %dma_start3A_292 = arith.constant 0 : i32
    %dma_start3A_293 = tpu.memref_slice %arg5[%dma_start3A_286, %dma_start3A_292] : memref<2x800xi32, #tpu.memory_space<vmem>> -> memref<1x800xi32, #tpu.memory_space<vmem>>
    %dma_start3A_294 = tpu.memref_squeeze %dma_start3A_293 : memref<1x800xi32, #tpu.memory_space<vmem>> -> memref<800xi32, #tpu.memory_space<vmem>>
    %dma_start3A_295 = arith.constant 0 : i32
    %dma_start3A_296 = arith.constant 0 : i32
    %dma_start3A_297 = tpu.memref_slice %arg3[%dma_start3A_295, %dma_start3A_296] : memref<100000x64xf32, #tpu.memory_space<hbm>> -> memref<100000x64xf32, #tpu.memory_space<hbm>>
    tpu.enqueue_indirect_dma source(%dma_start3A_297 : memref<100000x64xf32, #tpu.memory_space<hbm>>) target(%dma_start3A_291 : memref<800x64xf32, #tpu.memory_space<vmem>>) offsets(%dma_start3A_294 : memref<800xi32, #tpu.memory_space<vmem>>) semaphore(%arg8 : memref<!tpu.dma_semaphore, #tpu.memory_space<semaphore_mem>>)
    %dma_wait3A_298 = arith.constant 0 : i32
    %dma_wait3A_299 = arith.constant 0 : i32
    %dma_wait3A_300 = arith.constant 0 : i32
    %dma_wait3A_301 = arith.constant 0 : i32
    %dma_wait3A_302 = tpu.memref_slice %arg6[%dma_wait3A_299, %dma_wait3A_300, %dma_wait3A_301] : memref<2x800x64xf32, #tpu.memory_space<vmem>> -> memref<1x800x64xf32, #tpu.memory_space<vmem>>
    %dma_wait3A_303 = tpu.memref_squeeze %dma_wait3A_302 : memref<1x800x64xf32, #tpu.memory_space<vmem>> -> memref<800x64xf32, #tpu.memory_space<vmem>>
    %dma_wait3A_304 = arith.constant 0 : i32
    %dma_wait3A_305 = tpu.memref_slice %arg5[%dma_wait3A_298, %dma_wait3A_304] : memref<2x800xi32, #tpu.memory_space<vmem>> -> memref<1x800xi32, #tpu.memory_space<vmem>>
    %dma_wait3A_306 = tpu.memref_squeeze %dma_wait3A_305 : memref<1x800xi32, #tpu.memory_space<vmem>> -> memref<800xi32, #tpu.memory_space<vmem>>
    %dma_wait3A_307 = arith.constant 0 : i32
    %dma_wait3A_308 = arith.constant 0 : i32
    %dma_wait3A_309 = tpu.memref_slice %arg3[%dma_wait3A_307, %dma_wait3A_308] : memref<100000x64xf32, #tpu.memory_space<hbm>> -> memref<100000x64xf32, #tpu.memory_space<hbm>>
    tpu.wait_indirect_dma semaphore(%arg7 : memref<!tpu.dma_semaphore, #tpu.memory_space<semaphore_mem>>) src(%dma_wait3A_309 : memref<100000x64xf32, #tpu.memory_space<hbm>>) dst(%dma_wait3A_303 : memref<800x64xf32, #tpu.memory_space<vmem>>)
    %add3A_310 = arith.constant 800 : i32
    %add3A_311 = arith.addi %mul3A_2, %add3A_310 : i32
    %dma_start3A_312 = arith.constant 0 : i32
    %dma_start3A_313 = arith.constant 0 : i32
    %dma_start3A_314 = arith.constant 0 : i32
    %dma_start3A_315 = tpu.memref_slice %arg6[%dma_start3A_312, %dma_start3A_313, %dma_start3A_314] : memref<2x800x64xf32, #tpu.memory_space<vmem>> -> memref<1x800x64xf32, #tpu.memory_space<vmem>>
    %dma_start3A_316 = tpu.memref_squeeze %dma_start3A_315 : memref<1x800x64xf32, #tpu.memory_space<vmem>> -> memref<800x64xf32, #tpu.memory_space<vmem>>
    %dma_start3A_317 = arith.constant 0 : i32
    %dma_start3A_318 = tpu.memref_slice %arg4[%add3A_311, %dma_start3A_317] : memref<51200x128xf32, #tpu.memory_space<hbm>> -> memref<800x64xf32, #tpu.memory_space<hbm>>
    %dma_start3A_319 = arith.constant 0 : i32
    %dma_start3A_320 = tpu.memref_slice %arg4[%add3A_311, %dma_start3A_319] : memref<51200x128xf32, #tpu.memory_space<hbm>> -> memref<800x64xf32, #tpu.memory_space<hbm>>
    %dma_start3A_321 = arith.constant 0 : i32
    %dma_start3A_322 = arith.constant 0 : i32
    %dma_start3A_323 = tpu.memref_slice %arg6[%dma_start3A_312, %dma_start3A_321, %dma_start3A_322] : memref<2x800x64xf32, #tpu.memory_space<vmem>> -> memref<1x800x64xf32, #tpu.memory_space<vmem>>
    %dma_start3A_324 = tpu.memref_squeeze %dma_start3A_323 : memref<1x800x64xf32, #tpu.memory_space<vmem>> -> memref<800x64xf32, #tpu.memory_space<vmem>>
    tpu.enqueue_dma source(%dma_start3A_324 : memref<800x64xf32, #tpu.memory_space<vmem>>) target(%dma_start3A_320 : memref<800x64xf32, #tpu.memory_space<hbm>>) target_semaphore(%arg9 : memref<!tpu.dma_semaphore, #tpu.memory_space<semaphore_mem>>)
    %dma_wait3A_325 = arith.constant 1 : i32
    %dma_wait3A_326 = arith.constant 1 : i32
    %dma_wait3A_327 = arith.constant 0 : i32
    %dma_wait3A_328 = arith.constant 0 : i32
    %dma_wait3A_329 = tpu.memref_slice %arg6[%dma_wait3A_326, %dma_wait3A_327, %dma_wait3A_328] : memref<2x800x64xf32, #tpu.memory_space<vmem>> -> memref<1x800x64xf32, #tpu.memory_space<vmem>>
    %dma_wait3A_330 = tpu.memref_squeeze %dma_wait3A_329 : memref<1x800x64xf32, #tpu.memory_space<vmem>> -> memref<800x64xf32, #tpu.memory_space<vmem>>
    %dma_wait3A_331 = arith.constant 0 : i32
    %dma_wait3A_332 = tpu.memref_slice %arg5[%dma_wait3A_325, %dma_wait3A_331] : memref<2x800xi32, #tpu.memory_space<vmem>> -> memref<1x800xi32, #tpu.memory_space<vmem>>
    %dma_wait3A_333 = tpu.memref_squeeze %dma_wait3A_332 : memref<1x800xi32, #tpu.memory_space<vmem>> -> memref<800xi32, #tpu.memory_space<vmem>>
    %dma_wait3A_334 = arith.constant 0 : i32
    %dma_wait3A_335 = arith.constant 0 : i32
    %dma_wait3A_336 = tpu.memref_slice %arg3[%dma_wait3A_334, %dma_wait3A_335] : memref<100000x64xf32, #tpu.memory_space<hbm>> -> memref<100000x64xf32, #tpu.memory_space<hbm>>
    tpu.wait_indirect_dma semaphore(%arg8 : memref<!tpu.dma_semaphore, #tpu.memory_space<semaphore_mem>>) src(%dma_wait3A_336 : memref<100000x64xf32, #tpu.memory_space<hbm>>) dst(%dma_wait3A_330 : memref<800x64xf32, #tpu.memory_space<vmem>>)
    %add3A_337 = arith.constant 800 : i32
    %add3A_338 = arith.addi %mul3A_2, %add3A_337 : i32
    %dma_start3A_339 = arith.constant 1 : i32
    %dma_start3A_340 = arith.constant 0 : i32
    %dma_start3A_341 = arith.constant 0 : i32
    %dma_start3A_342 = tpu.memref_slice %arg6[%dma_start3A_339, %dma_start3A_340, %dma_start3A_341] : memref<2x800x64xf32, #tpu.memory_space<vmem>> -> memref<1x800x64xf32, #tpu.memory_space<vmem>>
    %dma_start3A_343 = tpu.memref_squeeze %dma_start3A_342 : memref<1x800x64xf32, #tpu.memory_space<vmem>> -> memref<800x64xf32, #tpu.memory_space<vmem>>
    %dma_start3A_344 = arith.constant 64 : i32
    %dma_start3A_345 = tpu.memref_slice %arg4[%add3A_338, %dma_start3A_344] : memref<51200x128xf32, #tpu.memory_space<hbm>> -> memref<800x64xf32, #tpu.memory_space<hbm>>
    %dma_start3A_346 = arith.constant 64 : i32
    %dma_start3A_347 = tpu.memref_slice %arg4[%add3A_338, %dma_start3A_346] : memref<51200x128xf32, #tpu.memory_space<hbm>> -> memref<800x64xf32, #tpu.memory_space<hbm>>
    %dma_start3A_348 = arith.constant 0 : i32
    %dma_start3A_349 = arith.constant 0 : i32
    %dma_start3A_350 = tpu.memref_slice %arg6[%dma_start3A_339, %dma_start3A_348, %dma_start3A_349] : memref<2x800x64xf32, #tpu.memory_space<vmem>> -> memref<1x800x64xf32, #tpu.memory_space<vmem>>
    %dma_start3A_351 = tpu.memref_squeeze %dma_start3A_350 : memref<1x800x64xf32, #tpu.memory_space<vmem>> -> memref<800x64xf32, #tpu.memory_space<vmem>>
    tpu.enqueue_dma source(%dma_start3A_351 : memref<800x64xf32, #tpu.memory_space<vmem>>) target(%dma_start3A_347 : memref<800x64xf32, #tpu.memory_space<hbm>>) target_semaphore(%arg10 : memref<!tpu.dma_semaphore, #tpu.memory_space<semaphore_mem>>)
    %dma_wait3A_352 = arith.constant 0 : i32
    %dma_wait3A_353 = arith.constant 0 : i32
    %dma_wait3A_354 = arith.constant 0 : i32
    %dma_wait3A_355 = tpu.memref_slice %arg6[%dma_wait3A_352, %dma_wait3A_353, %dma_wait3A_354] : memref<2x800x64xf32, #tpu.memory_space<vmem>> -> memref<1x800x64xf32, #tpu.memory_space<vmem>>
    %dma_wait3A_356 = tpu.memref_squeeze %dma_wait3A_355 : memref<1x800x64xf32, #tpu.memory_space<vmem>> -> memref<800x64xf32, #tpu.memory_space<vmem>>
    %dma_wait3A_357 = arith.constant 0 : i32
    %dma_wait3A_358 = tpu.memref_slice %arg4[%add3A_311, %dma_wait3A_357] : memref<51200x128xf32, #tpu.memory_space<hbm>> -> memref<800x64xf32, #tpu.memory_space<hbm>>
    %dma_wait3A_359 = arith.constant 0 : i32
    %dma_wait3A_360 = tpu.memref_slice %arg4[%add3A_311, %dma_wait3A_359] : memref<51200x128xf32, #tpu.memory_space<hbm>> -> memref<800x64xf32, #tpu.memory_space<hbm>>
    %dma_wait3A_361 = arith.constant 0 : i32
    %dma_wait3A_362 = arith.constant 0 : i32
    %dma_wait3A_363 = tpu.memref_slice %arg6[%dma_wait3A_352, %dma_wait3A_361, %dma_wait3A_362] : memref<2x800x64xf32, #tpu.memory_space<vmem>> -> memref<1x800x64xf32, #tpu.memory_space<vmem>>
    %dma_wait3A_364 = tpu.memref_squeeze %dma_wait3A_363 : memref<1x800x64xf32, #tpu.memory_space<vmem>> -> memref<800x64xf32, #tpu.memory_space<vmem>>
    tpu.wait_dma2 semaphore(%arg9 : memref<!tpu.dma_semaphore, #tpu.memory_space<semaphore_mem>>) src(%dma_wait3A_364 : memref<800x64xf32, #tpu.memory_space<vmem>>) dst(%dma_wait3A_360 : memref<800x64xf32, #tpu.memory_space<hbm>>)
    %dma_wait3A_365 = arith.constant 1 : i32
    %dma_wait3A_366 = arith.constant 0 : i32
    %dma_wait3A_367 = arith.constant 0 : i32
    %dma_wait3A_368 = tpu.memref_slice %arg6[%dma_wait3A_365, %dma_wait3A_366, %dma_wait3A_367] : memref<2x800x64xf32, #tpu.memory_space<vmem>> -> memref<1x800x64xf32, #tpu.memory_space<vmem>>
    %dma_wait3A_369 = tpu.memref_squeeze %dma_wait3A_368 : memref<1x800x64xf32, #tpu.memory_space<vmem>> -> memref<800x64xf32, #tpu.memory_space<vmem>>
    %dma_wait3A_370 = arith.constant 64 : i32
    %dma_wait3A_371 = tpu.memref_slice %arg4[%add3A_338, %dma_wait3A_370] : memref<51200x128xf32, #tpu.memory_space<hbm>> -> memref<800x64xf32, #tpu.memory_space<hbm>>
    %dma_wait3A_372 = arith.constant 64 : i32
    %dma_wait3A_373 = tpu.memref_slice %arg4[%add3A_338, %dma_wait3A_372] : memref<51200x128xf32, #tpu.memory_space<hbm>> -> memref<800x64xf32, #tpu.memory_space<hbm>>
    %dma_wait3A_374 = arith.constant 0 : i32
    %dma_wait3A_375 = arith.constant 0 : i32
    %dma_wait3A_376 = tpu.memref_slice %arg6[%dma_wait3A_365, %dma_wait3A_374, %dma_wait3A_375] : memref<2x800x64xf32, #tpu.memory_space<vmem>> -> memref<1x800x64xf32, #tpu.memory_space<vmem>>
    %dma_wait3A_377 = tpu.memref_squeeze %dma_wait3A_376 : memref<1x800x64xf32, #tpu.memory_space<vmem>> -> memref<800x64xf32, #tpu.memory_space<vmem>>
    tpu.wait_dma2 semaphore(%arg10 : memref<!tpu.dma_semaphore, #tpu.memory_space<semaphore_mem>>) src(%dma_wait3A_377 : memref<800x64xf32, #tpu.memory_space<vmem>>) dst(%dma_wait3A_373 : memref<800x64xf32, #tpu.memory_space<hbm>>)
    return
  }
}

#map = affine_map<(d0, d1) -> (0, 0)>
module attributes {stable_mosaic.version = 14 : i64} {
  func.func @gather_kernel(%arg0: i32, %arg1: i32, %arg2: memref<8x12800xi32, #tpu.memory_space<hbm>>, %arg3: memref<100000x64xf32, #tpu.memory_space<hbm>>, %arg4: memref<51200x128xf32, #tpu.memory_space<hbm>>, %arg5: memref<2x800xi32, #tpu.memory_space<vmem>>, %arg6: memref<2x800x64xf32, #tpu.memory_space<vmem>>, %arg7: memref<!tpu.dma_semaphore, #tpu.memory_space<semaphore_mem>>, %arg8: memref<!tpu.dma_semaphore, #tpu.memory_space<semaphore_mem>>, %arg9: memref<!tpu.dma_semaphore, #tpu.memory_space<semaphore_mem>>, %arg10: memref<!tpu.dma_semaphore, #tpu.memory_space<semaphore_mem>>) attributes {dimension_semantics = [#tpu.dimension_semantics<core_parallel>, #tpu.dimension_semantics<subcore_parallel>], iteration_bounds = array<i64: 2, 16>, scalar_prefetch = 0 : i64, scratch_operands = 6 : i64, tpu.core_type = #tpu.core_type<sc_vector_subcore>, window_params = [{transform_indices = #map}, {transform_indices = #map}, {transform_indices = #map}]} {
    %mul3A = arith.constant 2 : i32
    %mul3A_0 = arith.muli %arg1, %mul3A : i32
    %add3A = arith.addi %mul3A_0, %arg0 : i32
    %mul3A_1 = arith.constant 1600 : i32
    %mul3A_2 = arith.muli %add3A, %mul3A_1 : i32
    %add3A_3 = arith.constant 0 : i32
    %add3A_4 = arith.addi %add3A_3, %mul3A_2 : i32
    %add3A_5 = arith.constant 0 : i32
    %add3A_6 = arith.addi %add3A_4, %add3A_5 : i32
    %jit3A = arith.constant 12800 : i32
    %div3A = arith.divsi %add3A_6, %jit3A : i32
    %sign3A = arith.constant 0 : i32
    %sign3A_7 = arith.cmpi sgt, %add3A_6, %sign3A : i32
    %sign3A_8 = arith.extui %sign3A_7 : i1 to i32
    %sign3A_9 = arith.constant 0 : i32
    %sign3A_10 = arith.cmpi slt, %add3A_6, %sign3A_9 : i32
    %sign3A_11 = arith.extui %sign3A_10 : i1 to i32
    %sign3A_12 = arith.subi %sign3A_8, %sign3A_11 : i32
    %sign3A_13 = arith.constant 0 : i32
    %sign3A_14 = arith.cmpi sgt, %jit3A, %sign3A_13 : i32
    %sign3A_15 = arith.extui %sign3A_14 : i1 to i32
    %sign3A_16 = arith.constant 0 : i32
    %sign3A_17 = arith.cmpi slt, %jit3A, %sign3A_16 : i32
    %sign3A_18 = arith.extui %sign3A_17 : i1 to i32
    %sign3A_19 = arith.subi %sign3A_15, %sign3A_18 : i32
    %ne3A = arith.cmpi ne, %sign3A_12, %sign3A_19 : i32
    %rem3A = arith.remsi %add3A_6, %jit3A : i32
    %ne3A_20 = arith.constant 0 : i32
    %ne3A_21 = arith.cmpi ne, %rem3A, %ne3A_20 : i32
    %and3A = arith.andi %ne3A, %ne3A_21 : i1
    %sub3A = arith.constant 1 : i32
    %sub3A_22 = arith.subi %div3A, %sub3A : i32
    %select_n3A = arith.select %and3A, %sub3A_22, %div3A : i32
    %jit3A_23 = arith.constant 12800 : i32
    %eq3A = arith.constant 0 : i32
    %eq3A_24 = arith.cmpi eq, %jit3A_23, %eq3A : i32
    %jit3A_25 = arith.constant 1 : i32
    %select_n3A_26 = arith.select %eq3A_24, %jit3A_25, %jit3A_23 : i32
    %rem3A_27 = arith.remsi %add3A_6, %select_n3A_26 : i32
    %ne3A_28 = arith.constant 0 : i32
    %ne3A_29 = arith.cmpi ne, %rem3A_27, %ne3A_28 : i32
    %lt3A = arith.constant 0 : i32
    %lt3A_30 = arith.cmpi slt, %rem3A_27, %lt3A : i32
    %lt3A_31 = arith.constant 0 : i32
    %lt3A_32 = arith.cmpi slt, %select_n3A_26, %lt3A_31 : i32
    %ne3A_33 = arith.xori %lt3A_30, %lt3A_32 : i1
    %and3A_34 = arith.andi %ne3A_33, %ne3A_29 : i1
    %add3A_35 = arith.addi %rem3A_27, %select_n3A_26 : i32
    %select_n3A_36 = arith.select %and3A_34, %add3A_35, %rem3A_27 : i32
    %run_scoped3A = arith.constant 0 : i32
    "tpu.region"() ({
      %run_scoped3A_378 = tpu.sem_alloc : memref<!tpu.dma_semaphore, #tpu.memory_space<semaphore_mem>>
      %dma_start3A_379 = arith.constant 0 : i32
      %dma_start3A_380 = tpu.memref_slice %arg5[%run_scoped3A, %dma_start3A_379] : memref<2x800xi32, #tpu.memory_space<vmem>> -> memref<1x800xi32, #tpu.memory_space<vmem>>
      %dma_start3A_381 = tpu.memref_squeeze %dma_start3A_380 : memref<1x800xi32, #tpu.memory_space<vmem>> -> memref<800xi32, #tpu.memory_space<vmem>>
      %dma_start3A_382 = tpu.memref_slice %arg2[%select_n3A, %select_n3A_36] : memref<8x12800xi32, #tpu.memory_space<hbm>> -> memref<1x800xi32, #tpu.memory_space<hbm>>
      %dma_start3A_383 = tpu.memref_squeeze %dma_start3A_382 : memref<1x800xi32, #tpu.memory_space<hbm>> -> memref<800xi32, #tpu.memory_space<hbm>>
      %dma_start3A_384 = arith.constant 0 : i32
      %dma_start3A_385 = tpu.memref_slice %arg5[%run_scoped3A, %dma_start3A_384] : memref<2x800xi32, #tpu.memory_space<vmem>> -> memref<1x800xi32, #tpu.memory_space<vmem>>
      %dma_start3A_386 = tpu.memref_squeeze %dma_start3A_385 : memref<1x800xi32, #tpu.memory_space<vmem>> -> memref<800xi32, #tpu.memory_space<vmem>>
      %dma_start3A_387 = tpu.memref_slice %arg2[%select_n3A, %select_n3A_36] : memref<8x12800xi32, #tpu.memory_space<hbm>> -> memref<1x800xi32, #tpu.memory_space<hbm>>
      %dma_start3A_388 = tpu.memref_squeeze %dma_start3A_387 : memref<1x800xi32, #tpu.memory_space<hbm>> -> memref<800xi32, #tpu.memory_space<hbm>>
      tpu.enqueue_dma source(%dma_start3A_388 : memref<800xi32, #tpu.memory_space<hbm>>) target(%dma_start3A_386 : memref<800xi32, #tpu.memory_space<vmem>>) target_semaphore(%run_scoped3A_378 : memref<!tpu.dma_semaphore, #tpu.memory_space<semaphore_mem>>)
      %dma_wait3A_389 = arith.constant 0 : i32
      %dma_wait3A_390 = tpu.memref_slice %arg5[%run_scoped3A, %dma_wait3A_389] : memref<2x800xi32, #tpu.memory_space<vmem>> -> memref<1x800xi32, #tpu.memory_space<vmem>>
      %dma_wait3A_391 = tpu.memref_squeeze %dma_wait3A_390 : memref<1x800xi32, #tpu.memory_space<vmem>> -> memref<800xi32, #tpu.memory_space<vmem>>
      %dma_wait3A_392 = tpu.memref_slice %arg2[%select_n3A, %select_n3A_36] : memref<8x12800xi32, #tpu.memory_space<hbm>> -> memref<1x800xi32, #tpu.memory_space<hbm>>
      %dma_wait3A_393 = tpu.memref_squeeze %dma_wait3A_392 : memref<1x800xi32, #tpu.memory_space<hbm>> -> memref<800xi32, #tpu.memory_space<hbm>>
      %dma_wait3A_394 = arith.constant 0 : i32
      %dma_wait3A_395 = tpu.memref_slice %arg5[%run_scoped3A, %dma_wait3A_394] : memref<2x800xi32, #tpu.memory_space<vmem>> -> memref<1x800xi32, #tpu.memory_space<vmem>>
      %dma_wait3A_396 = tpu.memref_squeeze %dma_wait3A_395 : memref<1x800xi32, #tpu.memory_space<vmem>> -> memref<800xi32, #tpu.memory_space<vmem>>
      %dma_wait3A_397 = tpu.memref_slice %arg2[%select_n3A, %select_n3A_36] : memref<8x12800xi32, #tpu.memory_space<hbm>> -> memref<1x800xi32, #tpu.memory_space<hbm>>
      %dma_wait3A_398 = tpu.memref_squeeze %dma_wait3A_397 : memref<1x800xi32, #tpu.memory_space<hbm>> -> memref<800xi32, #tpu.memory_space<hbm>>
      tpu.wait_dma2 semaphore(%run_scoped3A_378 : memref<!tpu.dma_semaphore, #tpu.memory_space<semaphore_mem>>) src(%dma_wait3A_398 : memref<800xi32, #tpu.memory_space<hbm>>) dst(%dma_wait3A_396 : memref<800xi32, #tpu.memory_space<vmem>>)
      tpu.yield
    }) : () -> ()
    %dma_start3A = arith.constant 0 : i32
    %dma_start3A_37 = arith.constant 0 : i32
    %dma_start3A_38 = arith.constant 0 : i32
    %dma_start3A_39 = arith.constant 0 : i32
    %dma_start3A_40 = tpu.memref_slice %arg6[%dma_start3A_37, %dma_start3A_38, %dma_start3A_39] : memref<2x800x64xf32, #tpu.memory_space<vmem>> -> memref<1x800x64xf32, #tpu.memory_space<vmem>>
    %dma_start3A_41 = tpu.memref_squeeze %dma_start3A_40 : memref<1x800x64xf32, #tpu.memory_space<vmem>> -> memref<800x64xf32, #tpu.memory_space<vmem>>
    %dma_start3A_42 = arith.constant 0 : i32
    %dma_start3A_43 = tpu.memref_slice %arg5[%dma_start3A, %dma_start3A_42] : memref<2x800xi32, #tpu.memory_space<vmem>> -> memref<1x800xi32, #tpu.memory_space<vmem>>
    %dma_start3A_44 = tpu.memref_squeeze %dma_start3A_43 : memref<1x800xi32, #tpu.memory_space<vmem>> -> memref<800xi32, #tpu.memory_space<vmem>>
    %dma_start3A_45 = arith.constant 0 : i32
    %dma_start3A_46 = arith.constant 0 : i32
    %dma_start3A_47 = tpu.memref_slice %arg3[%dma_start3A_45, %dma_start3A_46] : memref<100000x64xf32, #tpu.memory_space<hbm>> -> memref<100000x64xf32, #tpu.memory_space<hbm>>
    tpu.enqueue_indirect_dma source(%dma_start3A_47 : memref<100000x64xf32, #tpu.memory_space<hbm>>) target(%dma_start3A_41 : memref<800x64xf32, #tpu.memory_space<vmem>>) offsets(%dma_start3A_44 : memref<800xi32, #tpu.memory_space<vmem>>) semaphore(%arg7 : memref<!tpu.dma_semaphore, #tpu.memory_space<semaphore_mem>>)
    %add3A_48 = arith.constant 51200 : i32
    %add3A_49 = arith.addi %add3A_48, %mul3A_2 : i32
    %add3A_50 = arith.constant 0 : i32
    %add3A_51 = arith.addi %add3A_49, %add3A_50 : i32
    %jit3A_52 = arith.constant 12800 : i32
    %div3A_53 = arith.divsi %add3A_51, %jit3A_52 : i32
    %sign3A_54 = arith.constant 0 : i32
    %sign3A_55 = arith.cmpi sgt, %add3A_51, %sign3A_54 : i32
    %sign3A_56 = arith.extui %sign3A_55 : i1 to i32
    %sign3A_57 = arith.constant 0 : i32
    %sign3A_58 = arith.cmpi slt, %add3A_51, %sign3A_57 : i32
    %sign3A_59 = arith.extui %sign3A_58 : i1 to i32
    %sign3A_60 = arith.subi %sign3A_56, %sign3A_59 : i32
    %sign3A_61 = arith.constant 0 : i32
    %sign3A_62 = arith.cmpi sgt, %jit3A_52, %sign3A_61 : i32
    %sign3A_63 = arith.extui %sign3A_62 : i1 to i32
    %sign3A_64 = arith.constant 0 : i32
    %sign3A_65 = arith.cmpi slt, %jit3A_52, %sign3A_64 : i32
    %sign3A_66 = arith.extui %sign3A_65 : i1 to i32
    %sign3A_67 = arith.subi %sign3A_63, %sign3A_66 : i32
    %ne3A_68 = arith.cmpi ne, %sign3A_60, %sign3A_67 : i32
    %rem3A_69 = arith.remsi %add3A_51, %jit3A_52 : i32
    %ne3A_70 = arith.constant 0 : i32
    %ne3A_71 = arith.cmpi ne, %rem3A_69, %ne3A_70 : i32
    %and3A_72 = arith.andi %ne3A_68, %ne3A_71 : i1
    %sub3A_73 = arith.constant 1 : i32
    %sub3A_74 = arith.subi %div3A_53, %sub3A_73 : i32
    %select_n3A_75 = arith.select %and3A_72, %sub3A_74, %div3A_53 : i32
    %jit3A_76 = arith.constant 12800 : i32
    %eq3A_77 = arith.constant 0 : i32
    %eq3A_78 = arith.cmpi eq, %jit3A_76, %eq3A_77 : i32
    %jit3A_79 = arith.constant 1 : i32
    %select_n3A_80 = arith.select %eq3A_78, %jit3A_79, %jit3A_76 : i32
    %rem3A_81 = arith.remsi %add3A_51, %select_n3A_80 : i32
    %ne3A_82 = arith.constant 0 : i32
    %ne3A_83 = arith.cmpi ne, %rem3A_81, %ne3A_82 : i32
    %lt3A_84 = arith.constant 0 : i32
    %lt3A_85 = arith.cmpi slt, %rem3A_81, %lt3A_84 : i32
    %lt3A_86 = arith.constant 0 : i32
    %lt3A_87 = arith.cmpi slt, %select_n3A_80, %lt3A_86 : i32
    %ne3A_88 = arith.xori %lt3A_85, %lt3A_87 : i1
    %and3A_89 = arith.andi %ne3A_88, %ne3A_83 : i1
    %add3A_90 = arith.addi %rem3A_81, %select_n3A_80 : i32
    %select_n3A_91 = arith.select %and3A_89, %add3A_90, %rem3A_81 : i32
    %run_scoped3A_92 = arith.constant 1 : i32
    "tpu.region"() ({
      %run_scoped3A_378 = tpu.sem_alloc : memref<!tpu.dma_semaphore, #tpu.memory_space<semaphore_mem>>
      %dma_start3A_379 = arith.constant 0 : i32
      %dma_start3A_380 = tpu.memref_slice %arg5[%run_scoped3A_92, %dma_start3A_379] : memref<2x800xi32, #tpu.memory_space<vmem>> -> memref<1x800xi32, #tpu.memory_space<vmem>>
      %dma_start3A_381 = tpu.memref_squeeze %dma_start3A_380 : memref<1x800xi32, #tpu.memory_space<vmem>> -> memref<800xi32, #tpu.memory_space<vmem>>
      %dma_start3A_382 = tpu.memref_slice %arg2[%select_n3A_75, %select_n3A_91] : memref<8x12800xi32, #tpu.memory_space<hbm>> -> memref<1x800xi32, #tpu.memory_space<hbm>>
      %dma_start3A_383 = tpu.memref_squeeze %dma_start3A_382 : memref<1x800xi32, #tpu.memory_space<hbm>> -> memref<800xi32, #tpu.memory_space<hbm>>
      %dma_start3A_384 = arith.constant 0 : i32
      %dma_start3A_385 = tpu.memref_slice %arg5[%run_scoped3A_92, %dma_start3A_384] : memref<2x800xi32, #tpu.memory_space<vmem>> -> memref<1x800xi32, #tpu.memory_space<vmem>>
      %dma_start3A_386 = tpu.memref_squeeze %dma_start3A_385 : memref<1x800xi32, #tpu.memory_space<vmem>> -> memref<800xi32, #tpu.memory_space<vmem>>
      %dma_start3A_387 = tpu.memref_slice %arg2[%select_n3A_75, %select_n3A_91] : memref<8x12800xi32, #tpu.memory_space<hbm>> -> memref<1x800xi32, #tpu.memory_space<hbm>>
      %dma_start3A_388 = tpu.memref_squeeze %dma_start3A_387 : memref<1x800xi32, #tpu.memory_space<hbm>> -> memref<800xi32, #tpu.memory_space<hbm>>
      tpu.enqueue_dma source(%dma_start3A_388 : memref<800xi32, #tpu.memory_space<hbm>>) target(%dma_start3A_386 : memref<800xi32, #tpu.memory_space<vmem>>) target_semaphore(%run_scoped3A_378 : memref<!tpu.dma_semaphore, #tpu.memory_space<semaphore_mem>>)
      %dma_wait3A_389 = arith.constant 0 : i32
      %dma_wait3A_390 = tpu.memref_slice %arg5[%run_scoped3A_92, %dma_wait3A_389] : memref<2x800xi32, #tpu.memory_space<vmem>> -> memref<1x800xi32, #tpu.memory_space<vmem>>
      %dma_wait3A_391 = tpu.memref_squeeze %dma_wait3A_390 : memref<1x800xi32, #tpu.memory_space<vmem>> -> memref<800xi32, #tpu.memory_space<vmem>>
      %dma_wait3A_392 = tpu.memref_slice %arg2[%select_n3A_75, %select_n3A_91] : memref<8x12800xi32, #tpu.memory_space<hbm>> -> memref<1x800xi32, #tpu.memory_space<hbm>>
      %dma_wait3A_393 = tpu.memref_squeeze %dma_wait3A_392 : memref<1x800xi32, #tpu.memory_space<hbm>> -> memref<800xi32, #tpu.memory_space<hbm>>
      %dma_wait3A_394 = arith.constant 0 : i32
      %dma_wait3A_395 = tpu.memref_slice %arg5[%run_scoped3A_92, %dma_wait3A_394] : memref<2x800xi32, #tpu.memory_space<vmem>> -> memref<1x800xi32, #tpu.memory_space<vmem>>
      %dma_wait3A_396 = tpu.memref_squeeze %dma_wait3A_395 : memref<1x800xi32, #tpu.memory_space<vmem>> -> memref<800xi32, #tpu.memory_space<vmem>>
      %dma_wait3A_397 = tpu.memref_slice %arg2[%select_n3A_75, %select_n3A_91] : memref<8x12800xi32, #tpu.memory_space<hbm>> -> memref<1x800xi32, #tpu.memory_space<hbm>>
      %dma_wait3A_398 = tpu.memref_squeeze %dma_wait3A_397 : memref<1x800xi32, #tpu.memory_space<hbm>> -> memref<800xi32, #tpu.memory_space<hbm>>
      tpu.wait_dma2 semaphore(%run_scoped3A_378 : memref<!tpu.dma_semaphore, #tpu.memory_space<semaphore_mem>>) src(%dma_wait3A_398 : memref<800xi32, #tpu.memory_space<hbm>>) dst(%dma_wait3A_396 : memref<800xi32, #tpu.memory_space<vmem>>)
      tpu.yield
    }) : () -> ()
    %dma_start3A_93 = arith.constant 1 : i32
    %dma_start3A_94 = arith.constant 1 : i32
    %dma_start3A_95 = arith.constant 0 : i32
    %dma_start3A_96 = arith.constant 0 : i32
    %dma_start3A_97 = tpu.memref_slice %arg6[%dma_start3A_94, %dma_start3A_95, %dma_start3A_96] : memref<2x800x64xf32, #tpu.memory_space<vmem>> -> memref<1x800x64xf32, #tpu.memory_space<vmem>>
    %dma_start3A_98 = tpu.memref_squeeze %dma_start3A_97 : memref<1x800x64xf32, #tpu.memory_space<vmem>> -> memref<800x64xf32, #tpu.memory_space<vmem>>
    %dma_start3A_99 = arith.constant 0 : i32
    %dma_start3A_100 = tpu.memref_slice %arg5[%dma_start3A_93, %dma_start3A_99] : memref<2x800xi32, #tpu.memory_space<vmem>> -> memref<1x800xi32, #tpu.memory_space<vmem>>
    %dma_start3A_101 = tpu.memref_squeeze %dma_start3A_100 : memref<1x800xi32, #tpu.memory_space<vmem>> -> memref<800xi32, #tpu.memory_space<vmem>>
    %dma_start3A_102 = arith.constant 0 : i32
    %dma_start3A_103 = arith.constant 0 : i32
    %dma_start3A_104 = tpu.memref_slice %arg3[%dma_start3A_102, %dma_start3A_103] : memref<100000x64xf32, #tpu.memory_space<hbm>> -> memref<100000x64xf32, #tpu.memory_space<hbm>>
    tpu.enqueue_indirect_dma source(%dma_start3A_104 : memref<100000x64xf32, #tpu.memory_space<hbm>>) target(%dma_start3A_98 : memref<800x64xf32, #tpu.memory_space<vmem>>) offsets(%dma_start3A_101 : memref<800xi32, #tpu.memory_space<vmem>>) semaphore(%arg8 : memref<!tpu.dma_semaphore, #tpu.memory_space<semaphore_mem>>)
    %dma_wait3A = arith.constant 0 : i32
    %dma_wait3A_105 = arith.constant 0 : i32
    %dma_wait3A_106 = arith.constant 0 : i32
    %dma_wait3A_107 = arith.constant 0 : i32
    %dma_wait3A_108 = tpu.memref_slice %arg6[%dma_wait3A_105, %dma_wait3A_106, %dma_wait3A_107] : memref<2x800x64xf32, #tpu.memory_space<vmem>> -> memref<1x800x64xf32, #tpu.memory_space<vmem>>
    %dma_wait3A_109 = tpu.memref_squeeze %dma_wait3A_108 : memref<1x800x64xf32, #tpu.memory_space<vmem>> -> memref<800x64xf32, #tpu.memory_space<vmem>>
    %dma_wait3A_110 = arith.constant 0 : i32
    %dma_wait3A_111 = tpu.memref_slice %arg5[%dma_wait3A, %dma_wait3A_110] : memref<2x800xi32, #tpu.memory_space<vmem>> -> memref<1x800xi32, #tpu.memory_space<vmem>>
    %dma_wait3A_112 = tpu.memref_squeeze %dma_wait3A_111 : memref<1x800xi32, #tpu.memory_space<vmem>> -> memref<800xi32, #tpu.memory_space<vmem>>
    %dma_wait3A_113 = arith.constant 0 : i32
    %dma_wait3A_114 = arith.constant 0 : i32
    %dma_wait3A_115 = tpu.memref_slice %arg3[%dma_wait3A_113, %dma_wait3A_114] : memref<100000x64xf32, #tpu.memory_space<hbm>> -> memref<100000x64xf32, #tpu.memory_space<hbm>>
    tpu.wait_indirect_dma semaphore(%arg7 : memref<!tpu.dma_semaphore, #tpu.memory_space<semaphore_mem>>) src(%dma_wait3A_115 : memref<100000x64xf32, #tpu.memory_space<hbm>>) dst(%dma_wait3A_109 : memref<800x64xf32, #tpu.memory_space<vmem>>)
    %add3A_116 = arith.constant 0 : i32
    %add3A_117 = arith.addi %mul3A_2, %add3A_116 : i32
    %dma_start3A_118 = arith.constant 0 : i32
    %dma_start3A_119 = arith.constant 0 : i32
    %dma_start3A_120 = arith.constant 0 : i32
    %dma_start3A_121 = tpu.memref_slice %arg6[%dma_start3A_118, %dma_start3A_119, %dma_start3A_120] : memref<2x800x64xf32, #tpu.memory_space<vmem>> -> memref<1x800x64xf32, #tpu.memory_space<vmem>>
    %dma_start3A_122 = tpu.memref_squeeze %dma_start3A_121 : memref<1x800x64xf32, #tpu.memory_space<vmem>> -> memref<800x64xf32, #tpu.memory_space<vmem>>
    %dma_start3A_123 = arith.constant 0 : i32
    %dma_start3A_124 = tpu.memref_slice %arg4[%add3A_117, %dma_start3A_123] : memref<51200x128xf32, #tpu.memory_space<hbm>> -> memref<800x64xf32, #tpu.memory_space<hbm>>
    %dma_start3A_125 = arith.constant 0 : i32
    %dma_start3A_126 = tpu.memref_slice %arg4[%add3A_117, %dma_start3A_125] : memref<51200x128xf32, #tpu.memory_space<hbm>> -> memref<800x64xf32, #tpu.memory_space<hbm>>
    %dma_start3A_127 = arith.constant 0 : i32
    %dma_start3A_128 = arith.constant 0 : i32
    %dma_start3A_129 = tpu.memref_slice %arg6[%dma_start3A_118, %dma_start3A_127, %dma_start3A_128] : memref<2x800x64xf32, #tpu.memory_space<vmem>> -> memref<1x800x64xf32, #tpu.memory_space<vmem>>
    %dma_start3A_130 = tpu.memref_squeeze %dma_start3A_129 : memref<1x800x64xf32, #tpu.memory_space<vmem>> -> memref<800x64xf32, #tpu.memory_space<vmem>>
    tpu.enqueue_dma source(%dma_start3A_130 : memref<800x64xf32, #tpu.memory_space<vmem>>) target(%dma_start3A_126 : memref<800x64xf32, #tpu.memory_space<hbm>>) target_semaphore(%arg9 : memref<!tpu.dma_semaphore, #tpu.memory_space<semaphore_mem>>)
    %dma_wait3A_131 = arith.constant 0 : i32
    %dma_wait3A_132 = arith.constant 0 : i32
    %dma_wait3A_133 = arith.constant 0 : i32
    %dma_wait3A_134 = tpu.memref_slice %arg6[%dma_wait3A_131, %dma_wait3A_132, %dma_wait3A_133] : memref<2x800x64xf32, #tpu.memory_space<vmem>> -> memref<1x800x64xf32, #tpu.memory_space<vmem>>
    %dma_wait3A_135 = tpu.memref_squeeze %dma_wait3A_134 : memref<1x800x64xf32, #tpu.memory_space<vmem>> -> memref<800x64xf32, #tpu.memory_space<vmem>>
    %dma_wait3A_136 = arith.constant 0 : i32
    %dma_wait3A_137 = tpu.memref_slice %arg4[%add3A_117, %dma_wait3A_136] : memref<51200x128xf32, #tpu.memory_space<hbm>> -> memref<800x64xf32, #tpu.memory_space<hbm>>
    %dma_wait3A_138 = arith.constant 0 : i32
    %dma_wait3A_139 = tpu.memref_slice %arg4[%add3A_117, %dma_wait3A_138] : memref<51200x128xf32, #tpu.memory_space<hbm>> -> memref<800x64xf32, #tpu.memory_space<hbm>>
    %dma_wait3A_140 = arith.constant 0 : i32
    %dma_wait3A_141 = arith.constant 0 : i32
    %dma_wait3A_142 = tpu.memref_slice %arg6[%dma_wait3A_131, %dma_wait3A_140, %dma_wait3A_141] : memref<2x800x64xf32, #tpu.memory_space<vmem>> -> memref<1x800x64xf32, #tpu.memory_space<vmem>>
    %dma_wait3A_143 = tpu.memref_squeeze %dma_wait3A_142 : memref<1x800x64xf32, #tpu.memory_space<vmem>> -> memref<800x64xf32, #tpu.memory_space<vmem>>
    tpu.wait_dma2 semaphore(%arg9 : memref<!tpu.dma_semaphore, #tpu.memory_space<semaphore_mem>>) src(%dma_wait3A_143 : memref<800x64xf32, #tpu.memory_space<vmem>>) dst(%dma_wait3A_139 : memref<800x64xf32, #tpu.memory_space<hbm>>)
    %add3A_144 = arith.constant 0 : i32
    %add3A_145 = arith.addi %add3A_144, %mul3A_2 : i32
    %add3A_146 = arith.constant 800 : i32
    %add3A_147 = arith.addi %add3A_145, %add3A_146 : i32
    %jit3A_148 = arith.constant 12800 : i32
    %div3A_149 = arith.divsi %add3A_147, %jit3A_148 : i32
    %sign3A_150 = arith.constant 0 : i32
    %sign3A_151 = arith.cmpi sgt, %add3A_147, %sign3A_150 : i32
    %sign3A_152 = arith.extui %sign3A_151 : i1 to i32
    %sign3A_153 = arith.constant 0 : i32
    %sign3A_154 = arith.cmpi slt, %add3A_147, %sign3A_153 : i32
    %sign3A_155 = arith.extui %sign3A_154 : i1 to i32
    %sign3A_156 = arith.subi %sign3A_152, %sign3A_155 : i32
    %sign3A_157 = arith.constant 0 : i32
    %sign3A_158 = arith.cmpi sgt, %jit3A_148, %sign3A_157 : i32
    %sign3A_159 = arith.extui %sign3A_158 : i1 to i32
    %sign3A_160 = arith.constant 0 : i32
    %sign3A_161 = arith.cmpi slt, %jit3A_148, %sign3A_160 : i32
    %sign3A_162 = arith.extui %sign3A_161 : i1 to i32
    %sign3A_163 = arith.subi %sign3A_159, %sign3A_162 : i32
    %ne3A_164 = arith.cmpi ne, %sign3A_156, %sign3A_163 : i32
    %rem3A_165 = arith.remsi %add3A_147, %jit3A_148 : i32
    %ne3A_166 = arith.constant 0 : i32
    %ne3A_167 = arith.cmpi ne, %rem3A_165, %ne3A_166 : i32
    %and3A_168 = arith.andi %ne3A_164, %ne3A_167 : i1
    %sub3A_169 = arith.constant 1 : i32
    %sub3A_170 = arith.subi %div3A_149, %sub3A_169 : i32
    %select_n3A_171 = arith.select %and3A_168, %sub3A_170, %div3A_149 : i32
    %jit3A_172 = arith.constant 12800 : i32
    %eq3A_173 = arith.constant 0 : i32
    %eq3A_174 = arith.cmpi eq, %jit3A_172, %eq3A_173 : i32
    %jit3A_175 = arith.constant 1 : i32
    %select_n3A_176 = arith.select %eq3A_174, %jit3A_175, %jit3A_172 : i32
    %rem3A_177 = arith.remsi %add3A_147, %select_n3A_176 : i32
    %ne3A_178 = arith.constant 0 : i32
    %ne3A_179 = arith.cmpi ne, %rem3A_177, %ne3A_178 : i32
    %lt3A_180 = arith.constant 0 : i32
    %lt3A_181 = arith.cmpi slt, %rem3A_177, %lt3A_180 : i32
    %lt3A_182 = arith.constant 0 : i32
    %lt3A_183 = arith.cmpi slt, %select_n3A_176, %lt3A_182 : i32
    %ne3A_184 = arith.xori %lt3A_181, %lt3A_183 : i1
    %and3A_185 = arith.andi %ne3A_184, %ne3A_179 : i1
    %add3A_186 = arith.addi %rem3A_177, %select_n3A_176 : i32
    %select_n3A_187 = arith.select %and3A_185, %add3A_186, %rem3A_177 : i32
    %run_scoped3A_188 = arith.constant 0 : i32
    "tpu.region"() ({
      %run_scoped3A_378 = tpu.sem_alloc : memref<!tpu.dma_semaphore, #tpu.memory_space<semaphore_mem>>
      %dma_start3A_379 = arith.constant 0 : i32
      %dma_start3A_380 = tpu.memref_slice %arg5[%run_scoped3A_188, %dma_start3A_379] : memref<2x800xi32, #tpu.memory_space<vmem>> -> memref<1x800xi32, #tpu.memory_space<vmem>>
      %dma_start3A_381 = tpu.memref_squeeze %dma_start3A_380 : memref<1x800xi32, #tpu.memory_space<vmem>> -> memref<800xi32, #tpu.memory_space<vmem>>
      %dma_start3A_382 = tpu.memref_slice %arg2[%select_n3A_171, %select_n3A_187] : memref<8x12800xi32, #tpu.memory_space<hbm>> -> memref<1x800xi32, #tpu.memory_space<hbm>>
      %dma_start3A_383 = tpu.memref_squeeze %dma_start3A_382 : memref<1x800xi32, #tpu.memory_space<hbm>> -> memref<800xi32, #tpu.memory_space<hbm>>
      %dma_start3A_384 = arith.constant 0 : i32
      %dma_start3A_385 = tpu.memref_slice %arg5[%run_scoped3A_188, %dma_start3A_384] : memref<2x800xi32, #tpu.memory_space<vmem>> -> memref<1x800xi32, #tpu.memory_space<vmem>>
      %dma_start3A_386 = tpu.memref_squeeze %dma_start3A_385 : memref<1x800xi32, #tpu.memory_space<vmem>> -> memref<800xi32, #tpu.memory_space<vmem>>
      %dma_start3A_387 = tpu.memref_slice %arg2[%select_n3A_171, %select_n3A_187] : memref<8x12800xi32, #tpu.memory_space<hbm>> -> memref<1x800xi32, #tpu.memory_space<hbm>>
      %dma_start3A_388 = tpu.memref_squeeze %dma_start3A_387 : memref<1x800xi32, #tpu.memory_space<hbm>> -> memref<800xi32, #tpu.memory_space<hbm>>
      tpu.enqueue_dma source(%dma_start3A_388 : memref<800xi32, #tpu.memory_space<hbm>>) target(%dma_start3A_386 : memref<800xi32, #tpu.memory_space<vmem>>) target_semaphore(%run_scoped3A_378 : memref<!tpu.dma_semaphore, #tpu.memory_space<semaphore_mem>>)
      %dma_wait3A_389 = arith.constant 0 : i32
      %dma_wait3A_390 = tpu.memref_slice %arg5[%run_scoped3A_188, %dma_wait3A_389] : memref<2x800xi32, #tpu.memory_space<vmem>> -> memref<1x800xi32, #tpu.memory_space<vmem>>
      %dma_wait3A_391 = tpu.memref_squeeze %dma_wait3A_390 : memref<1x800xi32, #tpu.memory_space<vmem>> -> memref<800xi32, #tpu.memory_space<vmem>>
      %dma_wait3A_392 = tpu.memref_slice %arg2[%select_n3A_171, %select_n3A_187] : memref<8x12800xi32, #tpu.memory_space<hbm>> -> memref<1x800xi32, #tpu.memory_space<hbm>>
      %dma_wait3A_393 = tpu.memref_squeeze %dma_wait3A_392 : memref<1x800xi32, #tpu.memory_space<hbm>> -> memref<800xi32, #tpu.memory_space<hbm>>
      %dma_wait3A_394 = arith.constant 0 : i32
      %dma_wait3A_395 = tpu.memref_slice %arg5[%run_scoped3A_188, %dma_wait3A_394] : memref<2x800xi32, #tpu.memory_space<vmem>> -> memref<1x800xi32, #tpu.memory_space<vmem>>
      %dma_wait3A_396 = tpu.memref_squeeze %dma_wait3A_395 : memref<1x800xi32, #tpu.memory_space<vmem>> -> memref<800xi32, #tpu.memory_space<vmem>>
      %dma_wait3A_397 = tpu.memref_slice %arg2[%select_n3A_171, %select_n3A_187] : memref<8x12800xi32, #tpu.memory_space<hbm>> -> memref<1x800xi32, #tpu.memory_space<hbm>>
      %dma_wait3A_398 = tpu.memref_squeeze %dma_wait3A_397 : memref<1x800xi32, #tpu.memory_space<hbm>> -> memref<800xi32, #tpu.memory_space<hbm>>
      tpu.wait_dma2 semaphore(%run_scoped3A_378 : memref<!tpu.dma_semaphore, #tpu.memory_space<semaphore_mem>>) src(%dma_wait3A_398 : memref<800xi32, #tpu.memory_space<hbm>>) dst(%dma_wait3A_396 : memref<800xi32, #tpu.memory_space<vmem>>)
      tpu.yield
    }) : () -> ()
    %dma_start3A_189 = arith.constant 0 : i32
    %dma_start3A_190 = arith.constant 0 : i32
    %dma_start3A_191 = arith.constant 0 : i32
    %dma_start3A_192 = arith.constant 0 : i32
    %dma_start3A_193 = tpu.memref_slice %arg6[%dma_start3A_190, %dma_start3A_191, %dma_start3A_192] : memref<2x800x64xf32, #tpu.memory_space<vmem>> -> memref<1x800x64xf32, #tpu.memory_space<vmem>>
    %dma_start3A_194 = tpu.memref_squeeze %dma_start3A_193 : memref<1x800x64xf32, #tpu.memory_space<vmem>> -> memref<800x64xf32, #tpu.memory_space<vmem>>
    %dma_start3A_195 = arith.constant 0 : i32
    %dma_start3A_196 = tpu.memref_slice %arg5[%dma_start3A_189, %dma_start3A_195] : memref<2x800xi32, #tpu.memory_space<vmem>> -> memref<1x800xi32, #tpu.memory_space<vmem>>
    %dma_start3A_197 = tpu.memref_squeeze %dma_start3A_196 : memref<1x800xi32, #tpu.memory_space<vmem>> -> memref<800xi32, #tpu.memory_space<vmem>>
    %dma_start3A_198 = arith.constant 0 : i32
    %dma_start3A_199 = arith.constant 0 : i32
    %dma_start3A_200 = tpu.memref_slice %arg3[%dma_start3A_198, %dma_start3A_199] : memref<100000x64xf32, #tpu.memory_space<hbm>> -> memref<100000x64xf32, #tpu.memory_space<hbm>>
    tpu.enqueue_indirect_dma source(%dma_start3A_200 : memref<100000x64xf32, #tpu.memory_space<hbm>>) target(%dma_start3A_194 : memref<800x64xf32, #tpu.memory_space<vmem>>) offsets(%dma_start3A_197 : memref<800xi32, #tpu.memory_space<vmem>>) semaphore(%arg7 : memref<!tpu.dma_semaphore, #tpu.memory_space<semaphore_mem>>)
    %dma_wait3A_201 = arith.constant 1 : i32
    %dma_wait3A_202 = arith.constant 1 : i32
    %dma_wait3A_203 = arith.constant 0 : i32
    %dma_wait3A_204 = arith.constant 0 : i32
    %dma_wait3A_205 = tpu.memref_slice %arg6[%dma_wait3A_202, %dma_wait3A_203, %dma_wait3A_204] : memref<2x800x64xf32, #tpu.memory_space<vmem>> -> memref<1x800x64xf32, #tpu.memory_space<vmem>>
    %dma_wait3A_206 = tpu.memref_squeeze %dma_wait3A_205 : memref<1x800x64xf32, #tpu.memory_space<vmem>> -> memref<800x64xf32, #tpu.memory_space<vmem>>
    %dma_wait3A_207 = arith.constant 0 : i32
    %dma_wait3A_208 = tpu.memref_slice %arg5[%dma_wait3A_201, %dma_wait3A_207] : memref<2x800xi32, #tpu.memory_space<vmem>> -> memref<1x800xi32, #tpu.memory_space<vmem>>
    %dma_wait3A_209 = tpu.memref_squeeze %dma_wait3A_208 : memref<1x800xi32, #tpu.memory_space<vmem>> -> memref<800xi32, #tpu.memory_space<vmem>>
    %dma_wait3A_210 = arith.constant 0 : i32
    %dma_wait3A_211 = arith.constant 0 : i32
    %dma_wait3A_212 = tpu.memref_slice %arg3[%dma_wait3A_210, %dma_wait3A_211] : memref<100000x64xf32, #tpu.memory_space<hbm>> -> memref<100000x64xf32, #tpu.memory_space<hbm>>
    tpu.wait_indirect_dma semaphore(%arg8 : memref<!tpu.dma_semaphore, #tpu.memory_space<semaphore_mem>>) src(%dma_wait3A_212 : memref<100000x64xf32, #tpu.memory_space<hbm>>) dst(%dma_wait3A_206 : memref<800x64xf32, #tpu.memory_space<vmem>>)
    %add3A_213 = arith.constant 0 : i32
    %add3A_214 = arith.addi %mul3A_2, %add3A_213 : i32
    %dma_start3A_215 = arith.constant 1 : i32
    %dma_start3A_216 = arith.constant 0 : i32
    %dma_start3A_217 = arith.constant 0 : i32
    %dma_start3A_218 = tpu.memref_slice %arg6[%dma_start3A_215, %dma_start3A_216, %dma_start3A_217] : memref<2x800x64xf32, #tpu.memory_space<vmem>> -> memref<1x800x64xf32, #tpu.memory_space<vmem>>
    %dma_start3A_219 = tpu.memref_squeeze %dma_start3A_218 : memref<1x800x64xf32, #tpu.memory_space<vmem>> -> memref<800x64xf32, #tpu.memory_space<vmem>>
    %dma_start3A_220 = arith.constant 64 : i32
    %dma_start3A_221 = tpu.memref_slice %arg4[%add3A_214, %dma_start3A_220] : memref<51200x128xf32, #tpu.memory_space<hbm>> -> memref<800x64xf32, #tpu.memory_space<hbm>>
    %dma_start3A_222 = arith.constant 64 : i32
    %dma_start3A_223 = tpu.memref_slice %arg4[%add3A_214, %dma_start3A_222] : memref<51200x128xf32, #tpu.memory_space<hbm>> -> memref<800x64xf32, #tpu.memory_space<hbm>>
    %dma_start3A_224 = arith.constant 0 : i32
    %dma_start3A_225 = arith.constant 0 : i32
    %dma_start3A_226 = tpu.memref_slice %arg6[%dma_start3A_215, %dma_start3A_224, %dma_start3A_225] : memref<2x800x64xf32, #tpu.memory_space<vmem>> -> memref<1x800x64xf32, #tpu.memory_space<vmem>>
    %dma_start3A_227 = tpu.memref_squeeze %dma_start3A_226 : memref<1x800x64xf32, #tpu.memory_space<vmem>> -> memref<800x64xf32, #tpu.memory_space<vmem>>
    tpu.enqueue_dma source(%dma_start3A_227 : memref<800x64xf32, #tpu.memory_space<vmem>>) target(%dma_start3A_223 : memref<800x64xf32, #tpu.memory_space<hbm>>) target_semaphore(%arg10 : memref<!tpu.dma_semaphore, #tpu.memory_space<semaphore_mem>>)
    %dma_wait3A_228 = arith.constant 1 : i32
    %dma_wait3A_229 = arith.constant 0 : i32
    %dma_wait3A_230 = arith.constant 0 : i32
    %dma_wait3A_231 = tpu.memref_slice %arg6[%dma_wait3A_228, %dma_wait3A_229, %dma_wait3A_230] : memref<2x800x64xf32, #tpu.memory_space<vmem>> -> memref<1x800x64xf32, #tpu.memory_space<vmem>>
    %dma_wait3A_232 = tpu.memref_squeeze %dma_wait3A_231 : memref<1x800x64xf32, #tpu.memory_space<vmem>> -> memref<800x64xf32, #tpu.memory_space<vmem>>
    %dma_wait3A_233 = arith.constant 64 : i32
    %dma_wait3A_234 = tpu.memref_slice %arg4[%add3A_214, %dma_wait3A_233] : memref<51200x128xf32, #tpu.memory_space<hbm>> -> memref<800x64xf32, #tpu.memory_space<hbm>>
    %dma_wait3A_235 = arith.constant 64 : i32
    %dma_wait3A_236 = tpu.memref_slice %arg4[%add3A_214, %dma_wait3A_235] : memref<51200x128xf32, #tpu.memory_space<hbm>> -> memref<800x64xf32, #tpu.memory_space<hbm>>
    %dma_wait3A_237 = arith.constant 0 : i32
    %dma_wait3A_238 = arith.constant 0 : i32
    %dma_wait3A_239 = tpu.memref_slice %arg6[%dma_wait3A_228, %dma_wait3A_237, %dma_wait3A_238] : memref<2x800x64xf32, #tpu.memory_space<vmem>> -> memref<1x800x64xf32, #tpu.memory_space<vmem>>
    %dma_wait3A_240 = tpu.memref_squeeze %dma_wait3A_239 : memref<1x800x64xf32, #tpu.memory_space<vmem>> -> memref<800x64xf32, #tpu.memory_space<vmem>>
    tpu.wait_dma2 semaphore(%arg10 : memref<!tpu.dma_semaphore, #tpu.memory_space<semaphore_mem>>) src(%dma_wait3A_240 : memref<800x64xf32, #tpu.memory_space<vmem>>) dst(%dma_wait3A_236 : memref<800x64xf32, #tpu.memory_space<hbm>>)
    %add3A_241 = arith.constant 51200 : i32
    %add3A_242 = arith.addi %add3A_241, %mul3A_2 : i32
    %add3A_243 = arith.constant 800 : i32
    %add3A_244 = arith.addi %add3A_242, %add3A_243 : i32
    %jit3A_245 = arith.constant 12800 : i32
    %div3A_246 = arith.divsi %add3A_244, %jit3A_245 : i32
    %sign3A_247 = arith.constant 0 : i32
    %sign3A_248 = arith.cmpi sgt, %add3A_244, %sign3A_247 : i32
    %sign3A_249 = arith.extui %sign3A_248 : i1 to i32
    %sign3A_250 = arith.constant 0 : i32
    %sign3A_251 = arith.cmpi slt, %add3A_244, %sign3A_250 : i32
    %sign3A_252 = arith.extui %sign3A_251 : i1 to i32
    %sign3A_253 = arith.subi %sign3A_249, %sign3A_252 : i32
    %sign3A_254 = arith.constant 0 : i32
    %sign3A_255 = arith.cmpi sgt, %jit3A_245, %sign3A_254 : i32
    %sign3A_256 = arith.extui %sign3A_255 : i1 to i32
    %sign3A_257 = arith.constant 0 : i32
    %sign3A_258 = arith.cmpi slt, %jit3A_245, %sign3A_257 : i32
    %sign3A_259 = arith.extui %sign3A_258 : i1 to i32
    %sign3A_260 = arith.subi %sign3A_256, %sign3A_259 : i32
    %ne3A_261 = arith.cmpi ne, %sign3A_253, %sign3A_260 : i32
    %rem3A_262 = arith.remsi %add3A_244, %jit3A_245 : i32
    %ne3A_263 = arith.constant 0 : i32
    %ne3A_264 = arith.cmpi ne, %rem3A_262, %ne3A_263 : i32
    %and3A_265 = arith.andi %ne3A_261, %ne3A_264 : i1
    %sub3A_266 = arith.constant 1 : i32
    %sub3A_267 = arith.subi %div3A_246, %sub3A_266 : i32
    %select_n3A_268 = arith.select %and3A_265, %sub3A_267, %div3A_246 : i32
    %jit3A_269 = arith.constant 12800 : i32
    %eq3A_270 = arith.constant 0 : i32
    %eq3A_271 = arith.cmpi eq, %jit3A_269, %eq3A_270 : i32
    %jit3A_272 = arith.constant 1 : i32
    %select_n3A_273 = arith.select %eq3A_271, %jit3A_272, %jit3A_269 : i32
    %rem3A_274 = arith.remsi %add3A_244, %select_n3A_273 : i32
    %ne3A_275 = arith.constant 0 : i32
    %ne3A_276 = arith.cmpi ne, %rem3A_274, %ne3A_275 : i32
    %lt3A_277 = arith.constant 0 : i32
    %lt3A_278 = arith.cmpi slt, %rem3A_274, %lt3A_277 : i32
    %lt3A_279 = arith.constant 0 : i32
    %lt3A_280 = arith.cmpi slt, %select_n3A_273, %lt3A_279 : i32
    %ne3A_281 = arith.xori %lt3A_278, %lt3A_280 : i1
    %and3A_282 = arith.andi %ne3A_281, %ne3A_276 : i1
    %add3A_283 = arith.addi %rem3A_274, %select_n3A_273 : i32
    %select_n3A_284 = arith.select %and3A_282, %add3A_283, %rem3A_274 : i32
    %run_scoped3A_285 = arith.constant 1 : i32
    "tpu.region"() ({
      %run_scoped3A_378 = tpu.sem_alloc : memref<!tpu.dma_semaphore, #tpu.memory_space<semaphore_mem>>
      %dma_start3A_379 = arith.constant 0 : i32
      %dma_start3A_380 = tpu.memref_slice %arg5[%run_scoped3A_285, %dma_start3A_379] : memref<2x800xi32, #tpu.memory_space<vmem>> -> memref<1x800xi32, #tpu.memory_space<vmem>>
      %dma_start3A_381 = tpu.memref_squeeze %dma_start3A_380 : memref<1x800xi32, #tpu.memory_space<vmem>> -> memref<800xi32, #tpu.memory_space<vmem>>
      %dma_start3A_382 = tpu.memref_slice %arg2[%select_n3A_268, %select_n3A_284] : memref<8x12800xi32, #tpu.memory_space<hbm>> -> memref<1x800xi32, #tpu.memory_space<hbm>>
      %dma_start3A_383 = tpu.memref_squeeze %dma_start3A_382 : memref<1x800xi32, #tpu.memory_space<hbm>> -> memref<800xi32, #tpu.memory_space<hbm>>
      %dma_start3A_384 = arith.constant 0 : i32
      %dma_start3A_385 = tpu.memref_slice %arg5[%run_scoped3A_285, %dma_start3A_384] : memref<2x800xi32, #tpu.memory_space<vmem>> -> memref<1x800xi32, #tpu.memory_space<vmem>>
      %dma_start3A_386 = tpu.memref_squeeze %dma_start3A_385 : memref<1x800xi32, #tpu.memory_space<vmem>> -> memref<800xi32, #tpu.memory_space<vmem>>
      %dma_start3A_387 = tpu.memref_slice %arg2[%select_n3A_268, %select_n3A_284] : memref<8x12800xi32, #tpu.memory_space<hbm>> -> memref<1x800xi32, #tpu.memory_space<hbm>>
      %dma_start3A_388 = tpu.memref_squeeze %dma_start3A_387 : memref<1x800xi32, #tpu.memory_space<hbm>> -> memref<800xi32, #tpu.memory_space<hbm>>
      tpu.enqueue_dma source(%dma_start3A_388 : memref<800xi32, #tpu.memory_space<hbm>>) target(%dma_start3A_386 : memref<800xi32, #tpu.memory_space<vmem>>) target_semaphore(%run_scoped3A_378 : memref<!tpu.dma_semaphore, #tpu.memory_space<semaphore_mem>>)
      %dma_wait3A_389 = arith.constant 0 : i32
      %dma_wait3A_390 = tpu.memref_slice %arg5[%run_scoped3A_285, %dma_wait3A_389] : memref<2x800xi32, #tpu.memory_space<vmem>> -> memref<1x800xi32, #tpu.memory_space<vmem>>
      %dma_wait3A_391 = tpu.memref_squeeze %dma_wait3A_390 : memref<1x800xi32, #tpu.memory_space<vmem>> -> memref<800xi32, #tpu.memory_space<vmem>>
      %dma_wait3A_392 = tpu.memref_slice %arg2[%select_n3A_268, %select_n3A_284] : memref<8x12800xi32, #tpu.memory_space<hbm>> -> memref<1x800xi32, #tpu.memory_space<hbm>>
      %dma_wait3A_393 = tpu.memref_squeeze %dma_wait3A_392 : memref<1x800xi32, #tpu.memory_space<hbm>> -> memref<800xi32, #tpu.memory_space<hbm>>
      %dma_wait3A_394 = arith.constant 0 : i32
      %dma_wait3A_395 = tpu.memref_slice %arg5[%run_scoped3A_285, %dma_wait3A_394] : memref<2x800xi32, #tpu.memory_space<vmem>> -> memref<1x800xi32, #tpu.memory_space<vmem>>
      %dma_wait3A_396 = tpu.memref_squeeze %dma_wait3A_395 : memref<1x800xi32, #tpu.memory_space<vmem>> -> memref<800xi32, #tpu.memory_space<vmem>>
      %dma_wait3A_397 = tpu.memref_slice %arg2[%select_n3A_268, %select_n3A_284] : memref<8x12800xi32, #tpu.memory_space<hbm>> -> memref<1x800xi32, #tpu.memory_space<hbm>>
      %dma_wait3A_398 = tpu.memref_squeeze %dma_wait3A_397 : memref<1x800xi32, #tpu.memory_space<hbm>> -> memref<800xi32, #tpu.memory_space<hbm>>
      tpu.wait_dma2 semaphore(%run_scoped3A_378 : memref<!tpu.dma_semaphore, #tpu.memory_space<semaphore_mem>>) src(%dma_wait3A_398 : memref<800xi32, #tpu.memory_space<hbm>>) dst(%dma_wait3A_396 : memref<800xi32, #tpu.memory_space<vmem>>)
      tpu.yield
    }) : () -> ()
    %dma_start3A_286 = arith.constant 1 : i32
    %dma_start3A_287 = arith.constant 1 : i32
    %dma_start3A_288 = arith.constant 0 : i32
    %dma_start3A_289 = arith.constant 0 : i32
    %dma_start3A_290 = tpu.memref_slice %arg6[%dma_start3A_287, %dma_start3A_288, %dma_start3A_289] : memref<2x800x64xf32, #tpu.memory_space<vmem>> -> memref<1x800x64xf32, #tpu.memory_space<vmem>>
    %dma_start3A_291 = tpu.memref_squeeze %dma_start3A_290 : memref<1x800x64xf32, #tpu.memory_space<vmem>> -> memref<800x64xf32, #tpu.memory_space<vmem>>
    %dma_start3A_292 = arith.constant 0 : i32
    %dma_start3A_293 = tpu.memref_slice %arg5[%dma_start3A_286, %dma_start3A_292] : memref<2x800xi32, #tpu.memory_space<vmem>> -> memref<1x800xi32, #tpu.memory_space<vmem>>
    %dma_start3A_294 = tpu.memref_squeeze %dma_start3A_293 : memref<1x800xi32, #tpu.memory_space<vmem>> -> memref<800xi32, #tpu.memory_space<vmem>>
    %dma_start3A_295 = arith.constant 0 : i32
    %dma_start3A_296 = arith.constant 0 : i32
    %dma_start3A_297 = tpu.memref_slice %arg3[%dma_start3A_295, %dma_start3A_296] : memref<100000x64xf32, #tpu.memory_space<hbm>> -> memref<100000x64xf32, #tpu.memory_space<hbm>>
    tpu.enqueue_indirect_dma source(%dma_start3A_297 : memref<100000x64xf32, #tpu.memory_space<hbm>>) target(%dma_start3A_291 : memref<800x64xf32, #tpu.memory_space<vmem>>) offsets(%dma_start3A_294 : memref<800xi32, #tpu.memory_space<vmem>>) semaphore(%arg8 : memref<!tpu.dma_semaphore, #tpu.memory_space<semaphore_mem>>)
    %dma_wait3A_298 = arith.constant 0 : i32
    %dma_wait3A_299 = arith.constant 0 : i32
    %dma_wait3A_300 = arith.constant 0 : i32
    %dma_wait3A_301 = arith.constant 0 : i32
    %dma_wait3A_302 = tpu.memref_slice %arg6[%dma_wait3A_299, %dma_wait3A_300, %dma_wait3A_301] : memref<2x800x64xf32, #tpu.memory_space<vmem>> -> memref<1x800x64xf32, #tpu.memory_space<vmem>>
    %dma_wait3A_303 = tpu.memref_squeeze %dma_wait3A_302 : memref<1x800x64xf32, #tpu.memory_space<vmem>> -> memref<800x64xf32, #tpu.memory_space<vmem>>
    %dma_wait3A_304 = arith.constant 0 : i32
    %dma_wait3A_305 = tpu.memref_slice %arg5[%dma_wait3A_298, %dma_wait3A_304] : memref<2x800xi32, #tpu.memory_space<vmem>> -> memref<1x800xi32, #tpu.memory_space<vmem>>
    %dma_wait3A_306 = tpu.memref_squeeze %dma_wait3A_305 : memref<1x800xi32, #tpu.memory_space<vmem>> -> memref<800xi32, #tpu.memory_space<vmem>>
    %dma_wait3A_307 = arith.constant 0 : i32
    %dma_wait3A_308 = arith.constant 0 : i32
    %dma_wait3A_309 = tpu.memref_slice %arg3[%dma_wait3A_307, %dma_wait3A_308] : memref<100000x64xf32, #tpu.memory_space<hbm>> -> memref<100000x64xf32, #tpu.memory_space<hbm>>
    tpu.wait_indirect_dma semaphore(%arg7 : memref<!tpu.dma_semaphore, #tpu.memory_space<semaphore_mem>>) src(%dma_wait3A_309 : memref<100000x64xf32, #tpu.memory_space<hbm>>) dst(%dma_wait3A_303 : memref<800x64xf32, #tpu.memory_space<vmem>>)
    %add3A_310 = arith.constant 800 : i32
    %add3A_311 = arith.addi %mul3A_2, %add3A_310 : i32
    %dma_start3A_312 = arith.constant 0 : i32
    %dma_start3A_313 = arith.constant 0 : i32
    %dma_start3A_314 = arith.constant 0 : i32
    %dma_start3A_315 = tpu.memref_slice %arg6[%dma_start3A_312, %dma_start3A_313, %dma_start3A_314] : memref<2x800x64xf32, #tpu.memory_space<vmem>> -> memref<1x800x64xf32, #tpu.memory_space<vmem>>
    %dma_start3A_316 = tpu.memref_squeeze %dma_start3A_315 : memref<1x800x64xf32, #tpu.memory_space<vmem>> -> memref<800x64xf32, #tpu.memory_space<vmem>>
    %dma_start3A_317 = arith.constant 0 : i32
    %dma_start3A_318 = tpu.memref_slice %arg4[%add3A_311, %dma_start3A_317] : memref<51200x128xf32, #tpu.memory_space<hbm>> -> memref<800x64xf32, #tpu.memory_space<hbm>>
    %dma_start3A_319 = arith.constant 0 : i32
    %dma_start3A_320 = tpu.memref_slice %arg4[%add3A_311, %dma_start3A_319] : memref<51200x128xf32, #tpu.memory_space<hbm>> -> memref<800x64xf32, #tpu.memory_space<hbm>>
    %dma_start3A_321 = arith.constant 0 : i32
    %dma_start3A_322 = arith.constant 0 : i32
    %dma_start3A_323 = tpu.memref_slice %arg6[%dma_start3A_312, %dma_start3A_321, %dma_start3A_322] : memref<2x800x64xf32, #tpu.memory_space<vmem>> -> memref<1x800x64xf32, #tpu.memory_space<vmem>>
    %dma_start3A_324 = tpu.memref_squeeze %dma_start3A_323 : memref<1x800x64xf32, #tpu.memory_space<vmem>> -> memref<800x64xf32, #tpu.memory_space<vmem>>
    tpu.enqueue_dma source(%dma_start3A_324 : memref<800x64xf32, #tpu.memory_space<vmem>>) target(%dma_start3A_320 : memref<800x64xf32, #tpu.memory_space<hbm>>) target_semaphore(%arg9 : memref<!tpu.dma_semaphore, #tpu.memory_space<semaphore_mem>>)
    %dma_wait3A_325 = arith.constant 1 : i32
    %dma_wait3A_326 = arith.constant 1 : i32
    %dma_wait3A_327 = arith.constant 0 : i32
    %dma_wait3A_328 = arith.constant 0 : i32
    %dma_wait3A_329 = tpu.memref_slice %arg6[%dma_wait3A_326, %dma_wait3A_327, %dma_wait3A_328] : memref<2x800x64xf32, #tpu.memory_space<vmem>> -> memref<1x800x64xf32, #tpu.memory_space<vmem>>
    %dma_wait3A_330 = tpu.memref_squeeze %dma_wait3A_329 : memref<1x800x64xf32, #tpu.memory_space<vmem>> -> memref<800x64xf32, #tpu.memory_space<vmem>>
    %dma_wait3A_331 = arith.constant 0 : i32
    %dma_wait3A_332 = tpu.memref_slice %arg5[%dma_wait3A_325, %dma_wait3A_331] : memref<2x800xi32, #tpu.memory_space<vmem>> -> memref<1x800xi32, #tpu.memory_space<vmem>>
    %dma_wait3A_333 = tpu.memref_squeeze %dma_wait3A_332 : memref<1x800xi32, #tpu.memory_space<vmem>> -> memref<800xi32, #tpu.memory_space<vmem>>
    %dma_wait3A_334 = arith.constant 0 : i32
    %dma_wait3A_335 = arith.constant 0 : i32
    %dma_wait3A_336 = tpu.memref_slice %arg3[%dma_wait3A_334, %dma_wait3A_335] : memref<100000x64xf32, #tpu.memory_space<hbm>> -> memref<100000x64xf32, #tpu.memory_space<hbm>>
    tpu.wait_indirect_dma semaphore(%arg8 : memref<!tpu.dma_semaphore, #tpu.memory_space<semaphore_mem>>) src(%dma_wait3A_336 : memref<100000x64xf32, #tpu.memory_space<hbm>>) dst(%dma_wait3A_330 : memref<800x64xf32, #tpu.memory_space<vmem>>)
    %add3A_337 = arith.constant 800 : i32
    %add3A_338 = arith.addi %mul3A_2, %add3A_337 : i32
    %dma_start3A_339 = arith.constant 1 : i32
    %dma_start3A_340 = arith.constant 0 : i32
    %dma_start3A_341 = arith.constant 0 : i32
    %dma_start3A_342 = tpu.memref_slice %arg6[%dma_start3A_339, %dma_start3A_340, %dma_start3A_341] : memref<2x800x64xf32, #tpu.memory_space<vmem>> -> memref<1x800x64xf32, #tpu.memory_space<vmem>>
    %dma_start3A_343 = tpu.memref_squeeze %dma_start3A_342 : memref<1x800x64xf32, #tpu.memory_space<vmem>> -> memref<800x64xf32, #tpu.memory_space<vmem>>
    %dma_start3A_344 = arith.constant 64 : i32
    %dma_start3A_345 = tpu.memref_slice %arg4[%add3A_338, %dma_start3A_344] : memref<51200x128xf32, #tpu.memory_space<hbm>> -> memref<800x64xf32, #tpu.memory_space<hbm>>
    %dma_start3A_346 = arith.constant 64 : i32
    %dma_start3A_347 = tpu.memref_slice %arg4[%add3A_338, %dma_start3A_346] : memref<51200x128xf32, #tpu.memory_space<hbm>> -> memref<800x64xf32, #tpu.memory_space<hbm>>
    %dma_start3A_348 = arith.constant 0 : i32
    %dma_start3A_349 = arith.constant 0 : i32
    %dma_start3A_350 = tpu.memref_slice %arg6[%dma_start3A_339, %dma_start3A_348, %dma_start3A_349] : memref<2x800x64xf32, #tpu.memory_space<vmem>> -> memref<1x800x64xf32, #tpu.memory_space<vmem>>
    %dma_start3A_351 = tpu.memref_squeeze %dma_start3A_350 : memref<1x800x64xf32, #tpu.memory_space<vmem>> -> memref<800x64xf32, #tpu.memory_space<vmem>>
    tpu.enqueue_dma source(%dma_start3A_351 : memref<800x64xf32, #tpu.memory_space<vmem>>) target(%dma_start3A_347 : memref<800x64xf32, #tpu.memory_space<hbm>>) target_semaphore(%arg10 : memref<!tpu.dma_semaphore, #tpu.memory_space<semaphore_mem>>)
    %dma_wait3A_352 = arith.constant 0 : i32
    %dma_wait3A_353 = arith.constant 0 : i32
    %dma_wait3A_354 = arith.constant 0 : i32
    %dma_wait3A_355 = tpu.memref_slice %arg6[%dma_wait3A_352, %dma_wait3A_353, %dma_wait3A_354] : memref<2x800x64xf32, #tpu.memory_space<vmem>> -> memref<1x800x64xf32, #tpu.memory_space<vmem>>
    %dma_wait3A_356 = tpu.memref_squeeze %dma_wait3A_355 : memref<1x800x64xf32, #tpu.memory_space<vmem>> -> memref<800x64xf32, #tpu.memory_space<vmem>>
    %dma_wait3A_357 = arith.constant 0 : i32
    %dma_wait3A_358 = tpu.memref_slice %arg4[%add3A_311, %dma_wait3A_357] : memref<51200x128xf32, #tpu.memory_space<hbm>> -> memref<800x64xf32, #tpu.memory_space<hbm>>
    %dma_wait3A_359 = arith.constant 0 : i32
    %dma_wait3A_360 = tpu.memref_slice %arg4[%add3A_311, %dma_wait3A_359] : memref<51200x128xf32, #tpu.memory_space<hbm>> -> memref<800x64xf32, #tpu.memory_space<hbm>>
    %dma_wait3A_361 = arith.constant 0 : i32
    %dma_wait3A_362 = arith.constant 0 : i32
    %dma_wait3A_363 = tpu.memref_slice %arg6[%dma_wait3A_352, %dma_wait3A_361, %dma_wait3A_362] : memref<2x800x64xf32, #tpu.memory_space<vmem>> -> memref<1x800x64xf32, #tpu.memory_space<vmem>>
    %dma_wait3A_364 = tpu.memref_squeeze %dma_wait3A_363 : memref<1x800x64xf32, #tpu.memory_space<vmem>> -> memref<800x64xf32, #tpu.memory_space<vmem>>
    tpu.wait_dma2 semaphore(%arg9 : memref<!tpu.dma_semaphore, #tpu.memory_space<semaphore_mem>>) src(%dma_wait3A_364 : memref<800x64xf32, #tpu.memory_space<vmem>>) dst(%dma_wait3A_360 : memref<800x64xf32, #tpu.memory_space<hbm>>)
    %dma_wait3A_365 = arith.constant 1 : i32
    %dma_wait3A_366 = arith.constant 0 : i32
    %dma_wait3A_367 = arith.constant 0 : i32
    %dma_wait3A_368 = tpu.memref_slice %arg6[%dma_wait3A_365, %dma_wait3A_366, %dma_wait3A_367] : memref<2x800x64xf32, #tpu.memory_space<vmem>> -> memref<1x800x64xf32, #tpu.memory_space<vmem>>
    %dma_wait3A_369 = tpu.memref_squeeze %dma_wait3A_368 : memref<1x800x64xf32, #tpu.memory_space<vmem>> -> memref<800x64xf32, #tpu.memory_space<vmem>>
    %dma_wait3A_370 = arith.constant 64 : i32
    %dma_wait3A_371 = tpu.memref_slice %arg4[%add3A_338, %dma_wait3A_370] : memref<51200x128xf32, #tpu.memory_space<hbm>> -> memref<800x64xf32, #tpu.memory_space<hbm>>
    %dma_wait3A_372 = arith.constant 64 : i32
    %dma_wait3A_373 = tpu.memref_slice %arg4[%add3A_338, %dma_wait3A_372] : memref<51200x128xf32, #tpu.memory_space<hbm>> -> memref<800x64xf32, #tpu.memory_space<hbm>>
    %dma_wait3A_374 = arith.constant 0 : i32
    %dma_wait3A_375 = arith.constant 0 : i32
    %dma_wait3A_376 = tpu.memref_slice %arg6[%dma_wait3A_365, %dma_wait3A_374, %dma_wait3A_375] : memref<2x800x64xf32, #tpu.memory_space<vmem>> -> memref<1x800x64xf32, #tpu.memory_space<vmem>>
    %dma_wait3A_377 = tpu.memref_squeeze %dma_wait3A_376 : memref<1x800x64xf32, #tpu.memory_space<vmem>> -> memref<800x64xf32, #tpu.memory_space<vmem>>
    tpu.wait_dma2 semaphore(%arg10 : memref<!tpu.dma_semaphore, #tpu.memory_space<semaphore_mem>>) src(%dma_wait3A_377 : memref<800x64xf32, #tpu.memory_space<vmem>>) dst(%dma_wait3A_373 : memref<800x64xf32, #tpu.memory_space<hbm>>)
    return
  }
}

module attributes {stable_mosaic.version = 14 : i64} {
  func.func @_mlp_body(%arg0: i32, %arg1: memref<25x512x128xf32, #tpu.memory_space<vmem>>, %arg2: memref<1024x3200xf32, #tpu.memory_space<vmem>>, %arg3: memref<1x1024xf32, #tpu.memory_space<vmem>>, %arg4: memref<128x1024xf32, #tpu.memory_space<vmem>>, %arg5: memref<1x128xf32, #tpu.memory_space<vmem>>, %arg6: memref<512x128xf32, #tpu.memory_space<vmem>>) attributes {dimension_semantics = [#tpu.dimension_semantics<arbitrary>], iteration_bounds = array<i64: 4>, scalar_prefetch = 0 : i64, scratch_operands = 0 : i64, tpu.core_type = #tpu.core_type<tc>, window_params = [{transform_indices = @transform_0, window_bounds = array<i64: 25, 512, 128>}, {pipeline_mode = #tpu.pipeline_mode<synchronous>, transform_indices = @transform_1, window_bounds = array<i64: 1024, 3200>}, {pipeline_mode = #tpu.pipeline_mode<synchronous>, transform_indices = @transform_2, window_bounds = array<i64: 1, 1024>}, {pipeline_mode = #tpu.pipeline_mode<synchronous>, transform_indices = @transform_3, window_bounds = array<i64: 128, 1024>}, {pipeline_mode = #tpu.pipeline_mode<synchronous>, transform_indices = @transform_4, window_bounds = array<i64: 1, 128>}, {transform_indices = @transform_5, window_bounds = array<i64: 512, 128>}]} {
    %get3A = arith.constant 0 : index
    %get3A_0 = arith.constant 0 : index
    %get3A_1 = arith.constant 0 : index
    %get3A_2 = vector.load %arg1[%get3A, %get3A_0, %get3A_1] : memref<25x512x128xf32, #tpu.memory_space<vmem>>, vector<25x512x128xf32>
    %slice3A = vector.extract_strided_slice %get3A_2 {offsets = [0, 0, 0], sizes = [1, 512, 128], strides = [1, 1, 1]} : vector<25x512x128xf32> to vector<1x512x128xf32>
    %squeeze3A = vector.shape_cast %slice3A : vector<1x512x128xf32> to vector<512x128xf32>
    %slice3A_3 = vector.extract_strided_slice %get3A_2 {offsets = [1, 0, 0], sizes = [1, 512, 128], strides = [1, 1, 1]} : vector<25x512x128xf32> to vector<1x512x128xf32>
    %squeeze3A_4 = vector.shape_cast %slice3A_3 : vector<1x512x128xf32> to vector<512x128xf32>
    %slice3A_5 = vector.extract_strided_slice %get3A_2 {offsets = [2, 0, 0], sizes = [1, 512, 128], strides = [1, 1, 1]} : vector<25x512x128xf32> to vector<1x512x128xf32>
    %squeeze3A_6 = vector.shape_cast %slice3A_5 : vector<1x512x128xf32> to vector<512x128xf32>
    %slice3A_7 = vector.extract_strided_slice %get3A_2 {offsets = [3, 0, 0], sizes = [1, 512, 128], strides = [1, 1, 1]} : vector<25x512x128xf32> to vector<1x512x128xf32>
    %squeeze3A_8 = vector.shape_cast %slice3A_7 : vector<1x512x128xf32> to vector<512x128xf32>
    %slice3A_9 = vector.extract_strided_slice %get3A_2 {offsets = [4, 0, 0], sizes = [1, 512, 128], strides = [1, 1, 1]} : vector<25x512x128xf32> to vector<1x512x128xf32>
    %squeeze3A_10 = vector.shape_cast %slice3A_9 : vector<1x512x128xf32> to vector<512x128xf32>
    %slice3A_11 = vector.extract_strided_slice %get3A_2 {offsets = [5, 0, 0], sizes = [1, 512, 128], strides = [1, 1, 1]} : vector<25x512x128xf32> to vector<1x512x128xf32>
    %squeeze3A_12 = vector.shape_cast %slice3A_11 : vector<1x512x128xf32> to vector<512x128xf32>
    %slice3A_13 = vector.extract_strided_slice %get3A_2 {offsets = [6, 0, 0], sizes = [1, 512, 128], strides = [1, 1, 1]} : vector<25x512x128xf32> to vector<1x512x128xf32>
    %squeeze3A_14 = vector.shape_cast %slice3A_13 : vector<1x512x128xf32> to vector<512x128xf32>
    %slice3A_15 = vector.extract_strided_slice %get3A_2 {offsets = [7, 0, 0], sizes = [1, 512, 128], strides = [1, 1, 1]} : vector<25x512x128xf32> to vector<1x512x128xf32>
    %squeeze3A_16 = vector.shape_cast %slice3A_15 : vector<1x512x128xf32> to vector<512x128xf32>
    %slice3A_17 = vector.extract_strided_slice %get3A_2 {offsets = [8, 0, 0], sizes = [1, 512, 128], strides = [1, 1, 1]} : vector<25x512x128xf32> to vector<1x512x128xf32>
    %squeeze3A_18 = vector.shape_cast %slice3A_17 : vector<1x512x128xf32> to vector<512x128xf32>
    %slice3A_19 = vector.extract_strided_slice %get3A_2 {offsets = [9, 0, 0], sizes = [1, 512, 128], strides = [1, 1, 1]} : vector<25x512x128xf32> to vector<1x512x128xf32>
    %squeeze3A_20 = vector.shape_cast %slice3A_19 : vector<1x512x128xf32> to vector<512x128xf32>
    %slice3A_21 = vector.extract_strided_slice %get3A_2 {offsets = [10, 0, 0], sizes = [1, 512, 128], strides = [1, 1, 1]} : vector<25x512x128xf32> to vector<1x512x128xf32>
    %squeeze3A_22 = vector.shape_cast %slice3A_21 : vector<1x512x128xf32> to vector<512x128xf32>
    %slice3A_23 = vector.extract_strided_slice %get3A_2 {offsets = [11, 0, 0], sizes = [1, 512, 128], strides = [1, 1, 1]} : vector<25x512x128xf32> to vector<1x512x128xf32>
    %squeeze3A_24 = vector.shape_cast %slice3A_23 : vector<1x512x128xf32> to vector<512x128xf32>
    %slice3A_25 = vector.extract_strided_slice %get3A_2 {offsets = [12, 0, 0], sizes = [1, 512, 128], strides = [1, 1, 1]} : vector<25x512x128xf32> to vector<1x512x128xf32>
    %squeeze3A_26 = vector.shape_cast %slice3A_25 : vector<1x512x128xf32> to vector<512x128xf32>
    %slice3A_27 = vector.extract_strided_slice %get3A_2 {offsets = [13, 0, 0], sizes = [1, 512, 128], strides = [1, 1, 1]} : vector<25x512x128xf32> to vector<1x512x128xf32>
    %squeeze3A_28 = vector.shape_cast %slice3A_27 : vector<1x512x128xf32> to vector<512x128xf32>
    %slice3A_29 = vector.extract_strided_slice %get3A_2 {offsets = [14, 0, 0], sizes = [1, 512, 128], strides = [1, 1, 1]} : vector<25x512x128xf32> to vector<1x512x128xf32>
    %squeeze3A_30 = vector.shape_cast %slice3A_29 : vector<1x512x128xf32> to vector<512x128xf32>
    %slice3A_31 = vector.extract_strided_slice %get3A_2 {offsets = [15, 0, 0], sizes = [1, 512, 128], strides = [1, 1, 1]} : vector<25x512x128xf32> to vector<1x512x128xf32>
    %squeeze3A_32 = vector.shape_cast %slice3A_31 : vector<1x512x128xf32> to vector<512x128xf32>
    %slice3A_33 = vector.extract_strided_slice %get3A_2 {offsets = [16, 0, 0], sizes = [1, 512, 128], strides = [1, 1, 1]} : vector<25x512x128xf32> to vector<1x512x128xf32>
    %squeeze3A_34 = vector.shape_cast %slice3A_33 : vector<1x512x128xf32> to vector<512x128xf32>
    %slice3A_35 = vector.extract_strided_slice %get3A_2 {offsets = [17, 0, 0], sizes = [1, 512, 128], strides = [1, 1, 1]} : vector<25x512x128xf32> to vector<1x512x128xf32>
    %squeeze3A_36 = vector.shape_cast %slice3A_35 : vector<1x512x128xf32> to vector<512x128xf32>
    %slice3A_37 = vector.extract_strided_slice %get3A_2 {offsets = [18, 0, 0], sizes = [1, 512, 128], strides = [1, 1, 1]} : vector<25x512x128xf32> to vector<1x512x128xf32>
    %squeeze3A_38 = vector.shape_cast %slice3A_37 : vector<1x512x128xf32> to vector<512x128xf32>
    %slice3A_39 = vector.extract_strided_slice %get3A_2 {offsets = [19, 0, 0], sizes = [1, 512, 128], strides = [1, 1, 1]} : vector<25x512x128xf32> to vector<1x512x128xf32>
    %squeeze3A_40 = vector.shape_cast %slice3A_39 : vector<1x512x128xf32> to vector<512x128xf32>
    %slice3A_41 = vector.extract_strided_slice %get3A_2 {offsets = [20, 0, 0], sizes = [1, 512, 128], strides = [1, 1, 1]} : vector<25x512x128xf32> to vector<1x512x128xf32>
    %squeeze3A_42 = vector.shape_cast %slice3A_41 : vector<1x512x128xf32> to vector<512x128xf32>
    %slice3A_43 = vector.extract_strided_slice %get3A_2 {offsets = [21, 0, 0], sizes = [1, 512, 128], strides = [1, 1, 1]} : vector<25x512x128xf32> to vector<1x512x128xf32>
    %squeeze3A_44 = vector.shape_cast %slice3A_43 : vector<1x512x128xf32> to vector<512x128xf32>
    %slice3A_45 = vector.extract_strided_slice %get3A_2 {offsets = [22, 0, 0], sizes = [1, 512, 128], strides = [1, 1, 1]} : vector<25x512x128xf32> to vector<1x512x128xf32>
    %squeeze3A_46 = vector.shape_cast %slice3A_45 : vector<1x512x128xf32> to vector<512x128xf32>
    %slice3A_47 = vector.extract_strided_slice %get3A_2 {offsets = [23, 0, 0], sizes = [1, 512, 128], strides = [1, 1, 1]} : vector<25x512x128xf32> to vector<1x512x128xf32>
    %squeeze3A_48 = vector.shape_cast %slice3A_47 : vector<1x512x128xf32> to vector<512x128xf32>
    %slice3A_49 = vector.extract_strided_slice %get3A_2 {offsets = [24, 0, 0], sizes = [1, 512, 128], strides = [1, 1, 1]} : vector<25x512x128xf32> to vector<1x512x128xf32>
    %squeeze3A_50 = vector.shape_cast %slice3A_49 : vector<1x512x128xf32> to vector<512x128xf32>
    %concatenate3A = tpu.concatenate %squeeze3A, %squeeze3A_4, %squeeze3A_6, %squeeze3A_8, %squeeze3A_10, %squeeze3A_12, %squeeze3A_14, %squeeze3A_16, %squeeze3A_18, %squeeze3A_20, %squeeze3A_22, %squeeze3A_24, %squeeze3A_26, %squeeze3A_28, %squeeze3A_30, %squeeze3A_32, %squeeze3A_34, %squeeze3A_36, %squeeze3A_38, %squeeze3A_40, %squeeze3A_42, %squeeze3A_44, %squeeze3A_46, %squeeze3A_48, %squeeze3A_50 in 1 : vector<512x128xf32>, vector<512x128xf32>, vector<512x128xf32>, vector<512x128xf32>, vector<512x128xf32>, vector<512x128xf32>, vector<512x128xf32>, vector<512x128xf32>, vector<512x128xf32>, vector<512x128xf32>, vector<512x128xf32>, vector<512x128xf32>, vector<512x128xf32>, vector<512x128xf32>, vector<512x128xf32>, vector<512x128xf32>, vector<512x128xf32>, vector<512x128xf32>, vector<512x128xf32>, vector<512x128xf32>, vector<512x128xf32>, vector<512x128xf32>, vector<512x128xf32>, vector<512x128xf32>, vector<512x128xf32> -> vector<512x3200xf32>
    %get3A_51 = arith.constant 0 : index
    %get3A_52 = arith.constant 0 : index
    %get3A_53 = vector.load %arg2[%get3A_51, %get3A_52] : memref<1024x3200xf32, #tpu.memory_space<vmem>>, vector<1024x3200xf32>
    %dot_general3A = arith.constant dense<0.000000e+00> : vector<512x1024xf32>
    %dot_general3A_54 = tpu.matmul %concatenate3A, %get3A_53, %dot_general3A {dimension_numbers = #tpu.dot_dimension_numbers<[1], [1], [0], [0], [0, 0, 1, 0], [], []>, transpose_lhs_hint = false} : vector<512x3200xf32>, vector<1024x3200xf32>, vector<512x1024xf32> -> vector<512x1024xf32>
    %get3A_55 = arith.constant 0 : index
    %get3A_56 = arith.constant 0 : index
    %get3A_57 = vector.load %arg3[%get3A_55, %get3A_56] : memref<1x1024xf32, #tpu.memory_space<vmem>>, vector<1x1024xf32>
    %add3A = vector.broadcast %get3A_57 : vector<1x1024xf32> to vector<512x1024xf32>
    %add3A_58 = arith.addf %dot_general3A_54, %add3A : vector<512x1024xf32>
    %max3A = arith.constant 0.000000e+00 : f32
    %max3A_59 = vector.broadcast %max3A : f32 to vector<512x1024xf32>
    %max3A_60 = arith.maximumf %add3A_58, %max3A_59 : vector<512x1024xf32>
    %get3A_61 = arith.constant 0 : index
    %get3A_62 = arith.constant 0 : index
    %get3A_63 = vector.load %arg4[%get3A_61, %get3A_62] : memref<128x1024xf32, #tpu.memory_space<vmem>>, vector<128x1024xf32>
    %dot_general3A_64 = arith.constant dense<0.000000e+00> : vector<512x128xf32>
    %dot_general3A_65 = tpu.matmul %max3A_60, %get3A_63, %dot_general3A_64 {dimension_numbers = #tpu.dot_dimension_numbers<[1], [1], [0], [0], [0, 0, 1, 0], [], []>, transpose_lhs_hint = false} : vector<512x1024xf32>, vector<128x1024xf32>, vector<512x128xf32> -> vector<512x128xf32>
    %get3A_66 = arith.constant 0 : index
    %get3A_67 = arith.constant 0 : index
    %get3A_68 = vector.load %arg5[%get3A_66, %get3A_67] : memref<1x128xf32, #tpu.memory_space<vmem>>, vector<1x128xf32>
    %add3A_69 = vector.broadcast %get3A_68 : vector<1x128xf32> to vector<512x128xf32>
    %add3A_70 = arith.addf %dot_general3A_65, %add3A_69 : vector<512x128xf32>
    %swap3A = arith.constant 0 : index
    %swap3A_71 = arith.constant 0 : index
    %swap3A_72 = vector.load %arg6[%swap3A, %swap3A_71] : memref<512x128xf32, #tpu.memory_space<vmem>>, vector<512x128xf32>
    tpu.vector_store %arg6[%swap3A, %swap3A_71], %add3A_70 {strides = array<i32>} : memref<512x128xf32, #tpu.memory_space<vmem>>, vector<512x128xf32>,
    return
  }
  func.func @transform_0(%arg0: i32) -> (i32, i32, i32) {
    %c0_i32 = arith.constant 0 : i32
    %c0_i32_0 = arith.constant 0 : i32
    %c0_i32_1 = arith.constant 0 : i32
    return %c0_i32, %arg0, %c0_i32_0 : i32, i32, i32
  }
  func.func @transform_1(%arg0: i32) -> (i32, i32) {
    %c0_i32 = arith.constant 0 : i32
    %c0_i32_0 = arith.constant 0 : i32
    %c0_i32_1 = arith.constant 0 : i32
    return %c0_i32, %c0_i32_0 : i32, i32
  }
  func.func @transform_2(%arg0: i32) -> (i32, i32) {
    %c0_i32 = arith.constant 0 : i32
    %c0_i32_0 = arith.constant 0 : i32
    %c0_i32_1 = arith.constant 0 : i32
    return %c0_i32, %c0_i32_0 : i32, i32
  }
  func.func @transform_3(%arg0: i32) -> (i32, i32) {
    %c0_i32 = arith.constant 0 : i32
    %c0_i32_0 = arith.constant 0 : i32
    %c0_i32_1 = arith.constant 0 : i32
    return %c0_i32, %c0_i32_0 : i32, i32
  }
  func.func @transform_4(%arg0: i32) -> (i32, i32) {
    %c0_i32 = arith.constant 0 : i32
    %c0_i32_0 = arith.constant 0 : i32
    %c0_i32_1 = arith.constant 0 : i32
    return %c0_i32, %c0_i32_0 : i32, i32
  }
  func.func @transform_5(%arg0: i32) -> (i32, i32) {
    %c0_i32 = arith.constant 0 : i32
    %c0_i32_0 = arith.constant 0 : i32
    return %arg0, %c0_i32 : i32, i32
  }
}

</mosaic_0001>

<sc_bundles>
// kernel: kernel.6.cloned.1.call-start
scs
__scs_entry_jumppad:
0x0: {  	(pc) =	sbr.rel $0x88, $3  }
0x1: {  	(tag) =	ssettag $0x0;
	lr =	simm.s32 $0x1  }
0x2: {  	[smem:$0x3F9B] =	sst lr;
	_ =	strace $0xD0000000  }
0x3: {  	_ = 	snop  }
0x4: {  	_ = 	snop  }
0x5: {  	_ = 	snop  }
0x6: {  	_ = 	snop  }
0x7: {  	_ = 	snop  }
__scs_overlays_trampoline_lowered:
0x8: {  	[smem:$0x3FAA] =	sst s0  }
0x9: {  	[smem:$0x3FAB] =	sst s1  }
0xa: {  	[smem:$0x3FAC] =	sst s2  }
0xb: {  	[smem:$0x3FAD] =	sst s3  }
0xc: {  	[smem:$0x3FAE] =	sst s4  }
0xd: {  	[smem:$0x3FAF] =	sst s5  }
0xe: {  	[smem:$0x3FB0] =	sst s6  }
0xf: {  	[smem:$0x3FB1] =	sst s7  }
0x10: {  	[smem:$0x3FB2] =	sst s8  }
0x11: {  	[smem:$0x3FB3] =	sst s9;
	s0 =	simm.s32 @!p0 $0x0  }
0x12: {  	s1 =	sld [smem:$0x3F99];
	s0 =	simm.s32 @p0 $0x1  }
0x13: {  	[smem:$0x3FB4] =	sst s0;
	s0 =	simm.s32 @!p1 $0x0  }
0x14: {  	s2 =	sld [smem:$0x3F98];
	s0 =	simm.s32 @p1 $0x1  }
0x15: {  	[smem:$0x3FB5] =	sst s0;
	s0 =	simm.s32 @!p2 $0x0  }
0x16: {  	s3 =	sld [smem:$0x3FDB];
	s0 =	simm.s32 @p2 $0x1  }
0x17: {  	s4 =	simm.s32 $0x1BF5;
	[smem:$0x3FB7] =	sst s0  }
0x18: {  	s0 =	sld [smem:$0x3F9A];
	_ =	swait.ge [sflag:s4], $0x0  }
0x19: {  	s7 =	sld [smem:$0x3F9B]  }
0x1a: {  	s8 =	sadd.s32 $0xFFFFE003, lr  }
0x1b: {  	s9 =	sadd.s32 $0xFFFFFEF7, lr;
	s5 =	simm.s32 $0xFFFFFFFF;
	p2 =	slt.u32 s8, $0xFFFFF086  }
0x1c: {  	p1 =	slt.u32 s9, $0xF7A;
	s5 =	simm.s32 @!p2 $0x0  }
0x1d: {  	s5 =	simm.s32 @p1 $0x1;
	p0 =	seq.s32 s7, s2  }
0x1e: {  	s7 =	smul.u32 @!p0 $0xF7A, s2;
	p2 =	seq.s32 @!p0 s5, $0x0  }
0x1f: {  	s9 =	smul.u32 $0xF7A, s1;
	s8 =	simm.s32 @!p0 $0x1BF5;
	p2 =	por !p2, p0  }
0x20: {  	[sflag:s8] =	ssyncset.s32 @!p0 $0xFFFFF086;
	s6 =	sadd.s32 @!p0 s3, s7;
	s7 =	simm.s32 @!p0 $0x108  }
0x21: {  	s3 =	sadd.s32 s3, s9;
	s6 =	sadd.s32 @!p0 $0x88, s6;
	s7 =	simm.s32 @p2 $0x1082  }
0x22: {  	[simem:s7], [sflag:s8] =	dma.local @!p0 [hbm:s6], $0xF7A  }
0x23: {  	s9 =	sor.u32 $0xD0000000, s2;
	s6 =	simm.s32 $0x108;
	_ =	swait.ge @!p0 [sflag:s8], $0x0  }
0x24: {  	s3 =	sadd.s32 $0x88, s3;
	s6 =	simm.s32 @!p1 $0x1082;
	[sflag:s4] =	ssyncset.s32 $0xFFFFF086  }
0x25: {  	[simem:s6], [sflag:s4] =	dma.local [hbm:s3], $0xF7A  }
0x26: {  	[smem:$0x3F9B] =	sst s1;
	(tag) =	ssettag s2;
	_ =	strace s9  }
0x27: {  	s1 =	sld [smem:$0x3FAB]  }
0x28: {  	s2 =	sld [smem:$0x3FAC]  }
0x29: {  	s4 =	sld [smem:$0x3FAE]  }
0x2a: {  	p0 =	seq.s32 s5, $0x0;
	s5 =	sld [smem:$0x3FAF]  }
0x2b: {  	s6 =	sld [smem:$0x3FB0]  }
0x2c: {  	s7 =	sld [smem:$0x3FB1]  }
0x2d: {  	s3 =	simm.s32 $0x108;
	s8 =	sld [smem:$0x3FB2]  }
0x2e: {  	s3 =	simm.s32 @!p0 $0x1082;
	s9 =	sld [smem:$0x3FB3]  }
0x2f: {  	lr =	sadd.s32 s0, s3;
	s0 =	sld [smem:$0x3FAA]  }
0x30: {  	s3 =	sld [smem:$0x3FAD]  }
0x31: {  	[smem:$0x3FB6] =	sst s10  }
0x32: {  	s10 =	sld [smem:$0x3FB4];
	_ =	sdelay $0x3  }
0x33: {  	p0 =	seq.s32 s10, $0x1;
	s10 =	sld [smem:$0x3FB6];
	_ =	sdelay $0x3  }
0x34: {  	[smem:$0x3FB6] =	sst s10  }
0x35: {  	s10 =	sld [smem:$0x3FB5];
	_ =	sdelay $0x3  }
0x36: {  	p1 =	seq.s32 s10, $0x1;
	s10 =	sld [smem:$0x3FB6];
	_ =	sdelay $0x3  }
0x37: {  	[smem:$0x3FB6] =	sst s10  }
0x38: {  	s10 =	sld [smem:$0x3FB7]  }
0x39: {  	_ = 	snop;
	(pc) =	sbr.ind lr, $3  }
0x3a: {  	_ = 	snop  }
0x3b: {  	_ = 	snop  }
0x3c: {  	p2 =	seq.s32 s10, $0x1;
	s10 =	sld [smem:$0x3FB6]  }
0x3d: {  	_ =	shalt  }
0x3e: {  	_ =	shalt  }
0x3f: {  	_ =	shalt  }
0x40: {  	_ =	shalt  }
0x41: {  	_ =	shalt  }
0x42: {  	_ =	shalt  }
0x43: {  	_ =	shalt  }
0x44: {  	_ =	shalt  }
0x45: {  	_ =	shalt  }
0x46: {  	_ =	shalt  }
0x47: {  	_ =	shalt  }
0x48: {  	_ =	shalt  }
0x49: {  	_ =	shalt  }
0x4a: {  	_ =	shalt  }
0x4b: {  	_ =	shalt  }
0x4c: {  	_ =	shalt  }
0x4d: {  	_ =	shalt  }
0x4e: {  	_ =	shalt  }
0x4f: {  	_ =	shalt  }
0x50: {  	_ =	shalt  }
0x51: {  	_ =	shalt  }
0x52: {  	_ =	shalt  }
0x53: {  	_ =	shalt  }
0x54: {  	_ =	shalt  }
0x55: {  	_ =	shalt  }
0x56: {  	_ =	shalt  }
0x57: {  	_ =	shalt  }
0x58: {  	_ =	shalt  }
0x59: {  	_ =	shalt  }
0x5a: {  	_ =	shalt  }
0x5b: {  	_ =	shalt  }
0x5c: {  	_ =	shalt  }
0x5d: {  	_ =	shalt  }
0x5e: {  	_ =	shalt  }
0x5f: {  	_ =	shalt  }
0x60: {  	_ =	shalt  }
0x61: {  	_ =	shalt  }
0x62: {  	_ =	shalt  }
0x63: {  	_ =	shalt  }
0x64: {  	_ =	shalt  }
0x65: {  	_ =	shalt  }
0x66: {  	_ =	shalt  }
0x67: {  	_ =	shalt  }
0x68: {  	_ =	shalt  }
0x69: {  	_ =	shalt  }
0x6a: {  	_ =	shalt  }
0x6b: {  	_ =	shalt  }
0x6c: {  	_ =	shalt  }
0x6d: {  	_ =	shalt  }
0x6e: {  	_ =	shalt  }
0x6f: {  	_ =	shalt  }
0x70: {  	_ =	shalt  }
0x71: {  	_ =	shalt  }
0x72: {  	_ =	shalt  }
0x73: {  	_ =	shalt  }
0x74: {  	_ =	shalt  }
0x75: {  	_ =	shalt  }
0x76: {  	_ =	shalt  }
0x77: {  	_ =	shalt  }
0x78: {  	_ =	shalt  }
0x79: {  	_ =	shalt  }
0x7a: {  	_ =	shalt  }
0x7b: {  	_ =	shalt  }
0x7c: {  	_ =	shalt  }
0x7d: {  	_ =	shalt  }
0x7e: {  	_ =	shalt  }
0x7f: {  	_ =	shalt  }
0x80: {  	_ =	shalt  }
0x81: {  	_ =	shalt  }
0x82: {  	_ =	shalt  }
0x83: {  	_ =	shalt  }
0x84: {  	_ =	shalt  }
0x85: {  	_ =	shalt  }
0x86: {  	_ =	shalt  }
0x87: {  	_ =	shalt  }
.Lfunc_end0:
.L_simem_size_0:
called_computation_lowered:
.L_overlay_start_0:
0x88: {  	s2 =	sld [smem:$0x3FD9]  }
0x89: {  	s3 =	sld [smem:$0x3FFE];
	_ =	sdelay $0x1  }
0x8a: {  	s1 =	srdreg.scid  }
0x8b: {  	s0 =	sand.u32 $0x1, s1  }
0x8c: {  	s16 =	sshll.u32 s0, $0xA;
	s2 =	sadd.s32 s3, s2  }
0x8d: {  	s2 =	sadd.s32 s2, s16  }
0x8e: {  	[smem:$0x3FC2] =	sst s2  }
0x8f: {  	_ = 	snop  }
0x90: {  	(tm) =	ssettm $0x1  }
0x91: {  	s17 =	sld [smem:$0x3FFB];
	_ =	sdelay $0x3  }
0x92: {  	_ =	strace s17  }
0x93: {  	s2 =	sld [smem:$0x3FFC];
	_ =	sdelay $0x3  }
0x94: {  	_ =	strace s2  }
0x95: {  	s2 =	sld [smem:$0x3FFD];
	_ =	sdelay $0x3  }
0x96: {  	_ =	strace s2  }
0x97: {  	_ =	strace $0x8FFFFFFF  }
0x98: {  	s18 =	sld [smem:$0x3FDB];
	_ =	sdelay $0x1  }
0x99: {  	s19 =	simm.s32 $_scs_section_size  }
0x9a: {  	s4 =	simm.s32 $_size__tile_overlayer_lowered;
	s5 =	simm.s32 $_tile_overlayer_lowered  }
0x9b: {  	s22 =	simm.s32 $0x1BFF;
	s21 =	sshll.u32 s5, $0x1;
	s2 =	sadd.s32 s19, s18  }
0x9c: {  	s6 =	simm.s32 $0x0;
	s20 =	sshll.u32 s4, $0x1;
	s4 =	sadd.s32 s21, s2  }
0x9d: {  	[timem:s6], [sflag:s22] =	dma.local [hbm:s4], s20  }
0x9e: {  	_ =	swait.ge [sflag:s22], s20  }
0x9f: {  	s3 =	ssub.s32 $0x0, s20;
	[sflag:s22] =	ssyncset.done $0x0  }
0xa0: {  	[sflag:s22] =	ssyncadd.s32 s3;
	_ =	sdelay $0x1  }
0xa1: {  	s23 =	simm.s32 $0x1B8B  }
0xa2: {  	_ =	swait.ge [sflag:s23], $0x1  }
0xa3: {  	[sflag:s23] =	ssyncset.done $0x0  }
0xa4: {  	s25 =	simm.s32 $0x1B8E;
	s24 =	sld [smem:$0x3FFE];
	[sflag:s23] =	ssyncadd.s32 $0xFFFFFFFF  }
0xa5: {  	s26 =	simm.s32 $execute0_lowered;
	[smem:$0x3FD2] =	sst s25  }
0xa6: {  	s4 =	sshll.u32 s26, $0x1;
	_ =	strace $0x80000046;
	[dreg:$0x1] =	wrdreg $0xFFFFFFFF  }
0xa7: {  	s28 =	simm.s32 $_size_execute0_lowered;
	s2 =	sadd.s32 s2, s4;
	[dreg:$0x0] =	wrdreg $0x0  }
0xa8: {  	s4 =	sshll.u32 s28, $0x1;
	[dreg:$0x2] =	wrdreg s2  }
0xa9: {  	[dreg:$0x3] =	wrdreg s4  }
0xaa: {  	[dreg:$0x4] =	wrdreg $0xC0  }
0xab: {  	_ =	task [dreg:s6], $0x5FFFF  }
0xac: {  	[dreg:$0x1] =	wrdreg $0xFFFFFFFF  }
0xad: {  	[dreg:$0x0] =	wrdreg $0x60  }
0xae: {  	[dreg:$0x2] =	wrdreg s24  }
0xaf: {  	[dreg:$0x3] =	wrdreg $0x9  }
0xb0: {  	_ =	task.clear_ibuf [dreg:s6], $0x4FFFF;
	_ =	strace $0x90000046  }
0xb1: {  	s29 =	simm.s32 $0x9;
	_ =	strace $0x80000048  }
0xb2: {  	_ =	swait.ge [sflag:s29], $0x1  }
0xb3: {  	[sflag:s29] =	ssyncadd.s32 $0xFFFFFFFF  }
0xb4: {  	_ =	strace $0x90000048  }
0xb5: {  	_ =	sfence  }
0xb6: {  	s30 =	sld [smem:$0x0];
	_ =	sdelay $0x2  }
0xb7: {  	s31 =	sshll.u32 s1, $0xD;
	s1 =	sshrl.u32 s1, $0x2  }
0xb8: {  	s3 =	sand.u32 $0x4000, s31;
	s1 =	sadd.s32 s1, s30  }
0xb9: {  	s0 =	sor.u32 s3, s0;
	s1 =	sshll.u32 s1, $0x11  }
0xba: {  	s0 =	sor.u32 s1, s0  }
0xbb: {  	s0 =	sadd.s32 $0x8F2B, s0  }
0xbc: {  	[sflag:s0] =	ssyncadd.remote.s32 $0x1  }
0xbd: {  	_ =	sfence.sel $0xFFFF  }
0xbe: {  	[dreg:$0x0] =	wrdreg $0xFFFFFFFF;
	(pc) =	sbr.abs _section_cstart, $3  }
0xbf: {  	[dreg:$0x1] =	wrdreg $0xFFFFFFFF  }
0xc0: {  	_ =	task.clear_ibuf [dreg:s6], $0x2FFFF;
	_ =	strace $0x9FFFFFFF  }
0xc1: {  	(tm) =	ssettm $0x7FFFFFFF  }
tec
execute0_lowered:
.L_overlay_start_1:
0x0: {  	(tag) =	ssettag $0x1  }
0x1: {  	s1 =	srdreg.scid;
	s0 =	stileid.u32  }
0x2: {  	s21 =	sand.u32 $0x1, s1;
	s28 =	sshll.u32 s0, $0x1  }
0x3: {  	s9 =	sor.u32 s21, s28  }
0x4: {  	s19 =	smul.u32 $0x640, s9;
	_ =	sdelay $0x1  }
0x5: {  	s29 =	smulhi.u32 $0x51EB851F, s19;
	_ =	sdelay $0x1  }
0x6: {  	s1 =	sshrl.u32 s29, $0xC  }
0x7: {  	s2 =	sshrl.u32 s0, $0x2;
	s1 =	smul.u32 $0x3200, s1  }
0x8: {  	s3 =	smul.u32 $0x3200, s2  }
0x9: {  	s17 =	rddreg [dreg:$0x0];
	s2 =	simm.s32 $0x0;
	s4 =	ssub.s32 s19, s1  }
0xa: {  	[smem:$0x7FF] =	sst s2;
	s3 =	sadd.s32 s3, s4  }
0xb: {  	s20 =	sadd.s32 $0x2200, s17;
	s1 =	rddreg [dreg:$0x1];
	s3 =	sshrl.u32 s3, $0x3  }
0xc: {  	_ =	strace $0x80000047;
	s4 =	simm.s32 $0x5;
	s3 =	sadd.s32 s20, s3  }
0xd: {  	[tilespmem:s2], [sflag:$0x5] =	stream.linear.gather [hbm4b:s3+s2], $0x320, $0x38;
	[tilespmem:$0x19640] =	vst v63  }
0xe: {  	s7 =	simm.s32 $0x640;
	_ =	swait.ge [sflag:s4], $0x320  }
0xf: {  	s5 =	sadd.s32 $0x188C00, s17;
	s6 =	sadd.s32 $0xC800, s19;
	[sflag:s4] =	ssyncset.done $0x0  }
0x10: {  	s8 =	sshrl.u32 s6, $0x3;
	s6 =	simm.s32 $0x320;
	[sflag:s4] =	ssyncadd.s32 $0xFFFFFCE0  }
0x11: {  	[tilespmem:s7], [sflag:$0x1] =	stream.indirect.gather [hbm4b:s5+s6], $0x40, s2, s6, $0xb8;
	[tilespmem:$0x19640] =	vst v63  }
0x12: {  	s8 =	sadd.s32 s20, s8  }
0x13: {  	[tilespmem:s6], [sflag:$0x5] =	stream.linear.gather [hbm4b:s8+s2], $0x320, $0x38;
	[tilespmem:$0x19640] =	vst v63  }
0x14: {  	_ =	swait.ge [sflag:s4], $0x320  }
0x15: {  	s10 =	simm.s32 $0x1;
	[sflag:s4] =	ssyncset.done $0x0  }
0x16: {  	s18 =	smul.u32 $0x6400, s9;
	s9 =	simm.s32 $0xCE40;
	[sflag:s4] =	ssyncadd.s32 $0xFFFFFCE0  }
0x17: {  	[tilespmem:s9], [sflag:$0x2] =	stream.indirect.gather [hbm4b:s5+s6], $0x40, s6, s6, $0xb8;
	[tilespmem:$0x19640] =	vst v63  }
0x18: {  	s12 =	simm.s32 $0x40;
	_ =	swait.ge [sflag:s10], $0xC800  }
0x19: {  	s13 =	simm.s32 $0x80;
	s22 =	sadd.s32 $0x5400, s17;
	[sflag:s10] =	ssyncset.done $0x0  }
0x1a: {  	s14 =	simm.s32 $0x3;
	s11 =	sadd.s32 s22, s18;
	[sflag:s10] =	ssyncadd.s32 $0xFFFF3800  }
0x1b: {  	[hbm4b:s11+s12] =	stream.strided.scatter [tilespmem:s7], [sflag:$0x3], $0xC800, s13, s12, $0x38;
	[tilespmem:$0x19640] =	vst v63  }
0x1c: {  	s23 =	sadd.s32 $0x320, s19;
	_ =	swait.ge [sflag:s14], $0xC800  }
0x1d: {  	s15 =	sshrl.u32 s23, $0x3;
	[sflag:s14] =	ssyncset.done $0x0  }
0x1e: {  	s15 =	sadd.s32 s20, s15;
	[sflag:s14] =	ssyncadd.s32 $0xFFFF3800  }
0x1f: {  	[tilespmem:s2], [sflag:$0x5] =	stream.linear.gather [hbm4b:s15+s2], $0x320, $0x38;
	[tilespmem:$0x19640] =	vst v63  }
0x20: {  	_ =	swait.ge [sflag:s4], $0x320  }
0x21: {  	[sflag:s4] =	ssyncset.done $0x0  }
0x22: {  	s16 =	simm.s32 $0x2;
	[sflag:s4] =	ssyncadd.s32 $0xFFFFFCE0  }
0x23: {  	[tilespmem:s7], [sflag:$0x1] =	stream.indirect.gather [hbm4b:s5+s6], $0x40, s2, s6, $0xb8;
	[tilespmem:$0x19640] =	vst v63  }
0x24: {  	_ =	swait.ge [sflag:s16], $0xC800  }
0x25: {  	s24 =	sadd.s32 $0x5408, s17;
	[sflag:s16] =	ssyncset.done $0x0  }
0x26: {  	s17 =	simm.s32 $0x4;
	s18 =	sadd.s32 s18, s24;
	[sflag:s16] =	ssyncadd.s32 $0xFFFF3800  }
0x27: {  	[hbm4b:s18+s12] =	stream.strided.scatter [tilespmem:s9], [sflag:$0x4], $0xC800, s13, s12, $0x38;
	[tilespmem:$0x19640] =	vst v63  }
0x28: {  	s19 =	sshrl.u32 s19, $0x3;
	_ =	swait.ge [sflag:s17], $0xC800  }
0x29: {  	s19 =	sadd.s32 s20, s19;
	[sflag:s17] =	ssyncset.done $0x0  }
0x2a: {  	s19 =	sadd.s32 $0x1964, s19;
	[sflag:s17] =	ssyncadd.s32 $0xFFFF3800  }
0x2b: {  	[tilespmem:s6], [sflag:$0x5] =	stream.linear.gather [hbm4b:s19+s2], $0x320, $0x38;
	[tilespmem:$0x19640] =	vst v63  }
0x2c: {  	_ =	swait.ge [sflag:s4], $0x320  }
0x2d: {  	[sflag:s4] =	ssyncset.done $0x0  }
0x2e: {  	[sflag:s4] =	ssyncadd.s32 $0xFFFFFCE0  }
0x2f: {  	[tilespmem:s9], [sflag:$0x2] =	stream.indirect.gather [hbm4b:s5+s6], $0x40, s6, s6, $0xb8;
	[tilespmem:$0x19640] =	vst v63  }
0x30: {  	_ =	swait.ge [sflag:s10], $0xC800  }
0x31: {  	s30 =	ssub.s32 $0x2, s21;
	s23 =	sshll.u32 s23, $0x4;
	[sflag:s10] =	ssyncset.done $0x0  }
0x32: {  	s31 =	sshrl.u32 s30, $0x1;
	s20 =	sadd.s32 s22, s23;
	[sflag:s10] =	ssyncadd.s32 $0xFFFF3800  }
0x33: {  	[hbm4b:s20+s12] =	stream.strided.scatter [tilespmem:s7], [sflag:$0x3], $0xC800, s13, s12, $0x38;
	[tilespmem:$0x19640] =	vst v63  }
0x34: {  	s22 =	ssub.s32 s30, s31;
	_ =	swait.ge [sflag:s16], $0xC800  }
0x35: {  	s22 =	smax.u32 s22, $0x1;
	[sflag:s16] =	ssyncset.done $0x0  }
0x36: {  	s21 =	sadd.s32 s23, s24;
	p0 =	sne.s32 s22, $0x1;
	[sflag:s16] =	ssyncadd.s32 $0xFFFF3800  }
0x37: {  	[hbm4b:s21+s12] =	stream.strided.scatter [tilespmem:s9], [sflag:$0x4], $0xC800, s13, s12, $0x38;
	[tilespmem:$0x19640] =	vst v63  }
.Ltmp0:
0x38: {  	_ =	swait.ge [sflag:s14], $0xC800;
	(pc) =	sbr.rel @!p0 .LBB2_2-.Ltmp0, $4  }
0x39: {  	[sflag:s14] =	ssyncset.done $0x0  }
0x3a: {  	[sflag:s14] =	ssyncadd.s32 $0xFFFF3800  }
0x3b: {  	_ =	swait.ge [sflag:s17], $0xC800  }
0x3c: {  	s22 =	sadd.s32 $0xFFFFFFFF, s22;
	[sflag:s17] =	ssyncset.done $0x0  }
.LBB2_1:
0x3d: {  	p0 =	sne.s32 s22, $0x1;
	s22 =	sadd.s32 $0xFFFFFFFF, s22;
	[sflag:s17] =	ssyncadd.s32 $0xFFFF3800  }
0x3e: {  	[tilespmem:s2], [sflag:$0x5] =	stream.linear.gather [hbm4b:s3+s2], $0x320, $0x38;
	[tilespmem:$0x19640] =	vst v63  }
0x3f: {  	_ =	swait.ge [sflag:s4], $0x320  }
0x40: {  	[sflag:s4] =	ssyncset.done $0x0  }
0x41: {  	[sflag:s4] =	ssyncadd.s32 $0xFFFFFCE0  }
0x42: {  	[tilespmem:s7], [sflag:$0x1] =	stream.indirect.gather [hbm4b:s5+s6], $0x40, s2, s6, $0xb8;
	[tilespmem:$0x19640] =	vst v63  }
0x43: {  	_ = 	snop  }
0x44: {  	[tilespmem:s6], [sflag:$0x5] =	stream.linear.gather [hbm4b:s8+s2], $0x320, $0x38;
	[tilespmem:$0x19640] =	vst v63  }
0x45: {  	_ =	swait.ge [sflag:s4], $0x320  }
0x46: {  	[sflag:s4] =	ssyncset.done $0x0  }
0x47: {  	[sflag:s4] =	ssyncadd.s32 $0xFFFFFCE0  }
0x48: {  	[tilespmem:s9], [sflag:$0x2] =	stream.indirect.gather [hbm4b:s5+s6], $0x40, s6, s6, $0xb8;
	[tilespmem:$0x19640] =	vst v63  }
0x49: {  	_ =	swait.ge [sflag:s10], $0xC800  }
0x4a: {  	[sflag:s10] =	ssyncset.done $0x0  }
0x4b: {  	[sflag:s10] =	ssyncadd.s32 $0xFFFF3800  }
0x4c: {  	[hbm4b:s11+s12] =	stream.strided.scatter [tilespmem:s7], [sflag:$0x3], $0xC800, s13, s12, $0x38;
	[tilespmem:$0x19640] =	vst v63  }
0x4d: {  	_ =	swait.ge [sflag:s14], $0xC800  }
0x4e: {  	[sflag:s14] =	ssyncset.done $0x0  }
0x4f: {  	[sflag:s14] =	ssyncadd.s32 $0xFFFF3800  }
0x50: {  	[tilespmem:s2], [sflag:$0x5] =	stream.linear.gather [hbm4b:s15+s2], $0x320, $0x38;
	[tilespmem:$0x19640] =	vst v63  }
0x51: {  	_ =	swait.ge [sflag:s4], $0x320  }
0x52: {  	[sflag:s4] =	ssyncset.done $0x0  }
0x53: {  	[sflag:s4] =	ssyncadd.s32 $0xFFFFFCE0  }
0x54: {  	[tilespmem:s7], [sflag:$0x1] =	stream.indirect.gather [hbm4b:s5+s6], $0x40, s2, s6, $0xb8;
	[tilespmem:$0x19640] =	vst v63  }
0x55: {  	_ =	swait.ge [sflag:s16], $0xC800  }
0x56: {  	[sflag:s16] =	ssyncset.done $0x0  }
0x57: {  	[sflag:s16] =	ssyncadd.s32 $0xFFFF3800  }
0x58: {  	[hbm4b:s18+s12] =	stream.strided.scatter [tilespmem:s9], [sflag:$0x4], $0xC800, s13, s12, $0x38;
	[tilespmem:$0x19640] =	vst v63  }
0x59: {  	_ =	swait.ge [sflag:s17], $0xC800  }
0x5a: {  	[sflag:s17] =	ssyncset.done $0x0  }
0x5b: {  	[sflag:s17] =	ssyncadd.s32 $0xFFFF3800  }
0x5c: {  	[tilespmem:s6], [sflag:$0x5] =	stream.linear.gather [hbm4b:s19+s2], $0x320, $0x38;
	[tilespmem:$0x19640] =	vst v63  }
0x5d: {  	_ =	swait.ge [sflag:s4], $0x320  }
0x5e: {  	[sflag:s4] =	ssyncset.done $0x0  }
0x5f: {  	[sflag:s4] =	ssyncadd.s32 $0xFFFFFCE0  }
0x60: {  	[tilespmem:s9], [sflag:$0x2] =	stream.indirect.gather [hbm4b:s5+s6], $0x40, s6, s6, $0xb8;
	[tilespmem:$0x19640] =	vst v63  }
0x61: {  	_ =	swait.ge [sflag:s10], $0xC800  }
0x62: {  	[sflag:s10] =	ssyncset.done $0x0  }
0x63: {  	[sflag:s10] =	ssyncadd.s32 $0xFFFF3800  }
0x64: {  	[hbm4b:s20+s12] =	stream.strided.scatter [tilespmem:s7], [sflag:$0x3], $0xC800, s13, s12, $0x38;
	[tilespmem:$0x19640] =	vst v63  }
0x65: {  	_ =	swait.ge [sflag:s16], $0xC800  }
0x66: {  	[sflag:s16] =	ssyncset.done $0x0  }
0x67: {  	[sflag:s16] =	ssyncadd.s32 $0xFFFF3800  }
0x68: {  	[hbm4b:s21+s12] =	stream.strided.scatter [tilespmem:s9], [sflag:$0x4], $0xC800, s13, s12, $0x38;
	[tilespmem:$0x19640] =	vst v63  }
.Ltmp1:
0x69: {  	_ =	swait.ge [sflag:s14], $0xC800;
	(pc) =	sbr.rel @p0 .LBB2_1-.Ltmp1, $4  }
0x6a: {  	[sflag:s14] =	ssyncset.done $0x0  }
0x6b: {  	[sflag:s14] =	ssyncadd.s32 $0xFFFF3800  }
0x6c: {  	_ =	swait.ge [sflag:s17], $0xC800  }
0x6d: {  	[sflag:s17] =	ssyncset.done $0x0  }
.LBB2_2:
0x6e: {  	[sflag:s17] =	ssyncadd.s32 $0xFFFF3800  }
0x6f: {  	_ =	sfence.sel $0x180000  }
0x70: {  	[bflag:$0x0] =	sbarrier.arrive $0xFFFF  }
0x71: {  	p0 =	sne.s32 s0, $0x0;
	_ =	strace $0x90000047  }
0x72: {  	s0 =	sadd.s32 @!p0 $0x100000, s1;
	[bflag:$0x2] =	sbarrier.arrive $0xFFFF  }
0x73: {  	[sflag:s0] =	ssyncadd.tile.s32 @!p0 $0x1;
	_ =	shalt  }
.Lfunc_end2:
_tile_overlayer_lowered:
.L_overlay_start_2:
0x74: {  	(tag) =	ssettag $0x2  }
0x75: {  	s0 =	rddreg [dreg:$0x0];
	s2 =	stileid.u32  }
0x76: {  	s1 =	rddreg [dreg:$0x1];
	p0 =	sne.s32 s2, $0x0  }
0x77: {  	s3 =	rddreg [dreg:$0x2];
	[bflag:$0x3] =	sbarrier.arrive $0xFFFF;
	s2 =	simm.s32 @!p0 $0x1C05  }
0x78: {  	[timem:s3], [sflag:s2] =	dma.local @!p0 [hbm:s0], s1  }
0x79: {  	s0 =	simm.s32 @!p0 $0x5  }
0x7a: {  	_ =	swait.ge @!p0 [sflag:s0], s1  }
0x7b: {  	s1 =	ssub.s32 @!p0 $0x0, s1;
	[sflag:s0] =	ssyncset.done @!p0 $0x0  }
0x7c: {  	[sflag:s0] =	ssyncadd.s32 @!p0 s1  }
0x7d: {  	[bflag:$0x3] =	sbarrier.arrive $0xFFFF  }
0x7e: {  	_ =	shalt  }

// kernel: kernel.9.cloned.1.call-start
scs
__scs_entry_jumppad:
0x0: {  	(pc) =	sbr.rel $0x88, $3  }
0x1: {  	(tag) =	ssettag $0x0;
	lr =	simm.s32 $0x1  }
0x2: {  	[smem:$0x3F9B] =	sst lr;
	_ =	strace $0xD0000000  }
0x3: {  	_ = 	snop  }
0x4: {  	_ = 	snop  }
0x5: {  	_ = 	snop  }
0x6: {  	_ = 	snop  }
0x7: {  	_ = 	snop  }
__scs_overlays_trampoline_lowered:
0x8: {  	[smem:$0x3FAA] =	sst s0  }
0x9: {  	[smem:$0x3FAB] =	sst s1  }
0xa: {  	[smem:$0x3FAC] =	sst s2  }
0xb: {  	[smem:$0x3FAD] =	sst s3  }
0xc: {  	[smem:$0x3FAE] =	sst s4  }
0xd: {  	[smem:$0x3FAF] =	sst s5  }
0xe: {  	[smem:$0x3FB0] =	sst s6  }
0xf: {  	[smem:$0x3FB1] =	sst s7  }
0x10: {  	[smem:$0x3FB2] =	sst s8  }
0x11: {  	[smem:$0x3FB3] =	sst s9;
	s0 =	simm.s32 @!p0 $0x0  }
0x12: {  	s1 =	sld [smem:$0x3F99];
	s0 =	simm.s32 @p0 $0x1  }
0x13: {  	[smem:$0x3FB4] =	sst s0;
	s0 =	simm.s32 @!p1 $0x0  }
0x14: {  	s2 =	sld [smem:$0x3F98];
	s0 =	simm.s32 @p1 $0x1  }
0x15: {  	[smem:$0x3FB5] =	sst s0;
	s0 =	simm.s32 @!p2 $0x0  }
0x16: {  	s3 =	sld [smem:$0x3FDB];
	s0 =	simm.s32 @p2 $0x1  }
0x17: {  	s4 =	simm.s32 $0x1BF5;
	[smem:$0x3FB7] =	sst s0  }
0x18: {  	s0 =	sld [smem:$0x3F9A];
	_ =	swait.ge [sflag:s4], $0x0  }
0x19: {  	s7 =	sld [smem:$0x3F9B]  }
0x1a: {  	s8 =	sadd.s32 $0xFFFFE003, lr  }
0x1b: {  	s9 =	sadd.s32 $0xFFFFFEF7, lr;
	s5 =	simm.s32 $0xFFFFFFFF;
	p2 =	slt.u32 s8, $0xFFFFF086  }
0x1c: {  	p1 =	slt.u32 s9, $0xF7A;
	s5 =	simm.s32 @!p2 $0x0  }
0x1d: {  	s5 =	simm.s32 @p1 $0x1;
	p0 =	seq.s32 s7, s2  }
0x1e: {  	s7 =	smul.u32 @!p0 $0xF7A, s2;
	p2 =	seq.s32 @!p0 s5, $0x0  }
0x1f: {  	s9 =	smul.u32 $0xF7A, s1;
	s8 =	simm.s32 @!p0 $0x1BF5;
	p2 =	por !p2, p0  }
0x20: {  	[sflag:s8] =	ssyncset.s32 @!p0 $0xFFFFF086;
	s6 =	sadd.s32 @!p0 s3, s7;
	s7 =	simm.s32 @!p0 $0x108  }
0x21: {  	s3 =	sadd.s32 s3, s9;
	s6 =	sadd.s32 @!p0 $0x88, s6;
	s7 =	simm.s32 @p2 $0x1082  }
0x22: {  	[simem:s7], [sflag:s8] =	dma.local @!p0 [hbm:s6], $0xF7A  }
0x23: {  	s9 =	sor.u32 $0xD0000000, s2;
	s6 =	simm.s32 $0x108;
	_ =	swait.ge @!p0 [sflag:s8], $0x0  }
0x24: {  	s3 =	sadd.s32 $0x88, s3;
	s6 =	simm.s32 @!p1 $0x1082;
	[sflag:s4] =	ssyncset.s32 $0xFFFFF086  }
0x25: {  	[simem:s6], [sflag:s4] =	dma.local [hbm:s3], $0xF7A  }
0x26: {  	[smem:$0x3F9B] =	sst s1;
	(tag) =	ssettag s2;
	_ =	strace s9  }
0x27: {  	s1 =	sld [smem:$0x3FAB]  }
0x28: {  	s2 =	sld [smem:$0x3FAC]  }
0x29: {  	s4 =	sld [smem:$0x3FAE]  }
0x2a: {  	p0 =	seq.s32 s5, $0x0;
	s5 =	sld [smem:$0x3FAF]  }
0x2b: {  	s6 =	sld [smem:$0x3FB0]  }
0x2c: {  	s7 =	sld [smem:$0x3FB1]  }
0x2d: {  	s3 =	simm.s32 $0x108;
	s8 =	sld [smem:$0x3FB2]  }
0x2e: {  	s3 =	simm.s32 @!p0 $0x1082;
	s9 =	sld [smem:$0x3FB3]  }
0x2f: {  	lr =	sadd.s32 s0, s3;
	s0 =	sld [smem:$0x3FAA]  }
0x30: {  	s3 =	sld [smem:$0x3FAD]  }
0x31: {  	[smem:$0x3FB6] =	sst s10  }
0x32: {  	s10 =	sld [smem:$0x3FB4];
	_ =	sdelay $0x3  }
0x33: {  	p0 =	seq.s32 s10, $0x1;
	s10 =	sld [smem:$0x3FB6];
	_ =	sdelay $0x3  }
0x34: {  	[smem:$0x3FB6] =	sst s10  }
0x35: {  	s10 =	sld [smem:$0x3FB5];
	_ =	sdelay $0x3  }
0x36: {  	p1 =	seq.s32 s10, $0x1;
	s10 =	sld [smem:$0x3FB6];
	_ =	sdelay $0x3  }
0x37: {  	[smem:$0x3FB6] =	sst s10  }
0x38: {  	s10 =	sld [smem:$0x3FB7]  }
0x39: {  	_ = 	snop;
	(pc) =	sbr.ind lr, $3  }
0x3a: {  	_ = 	snop  }
0x3b: {  	_ = 	snop  }
0x3c: {  	p2 =	seq.s32 s10, $0x1;
	s10 =	sld [smem:$0x3FB6]  }
0x3d: {  	_ =	shalt  }
0x3e: {  	_ =	shalt  }
0x3f: {  	_ =	shalt  }
0x40: {  	_ =	shalt  }
0x41: {  	_ =	shalt  }
0x42: {  	_ =	shalt  }
0x43: {  	_ =	shalt  }
0x44: {  	_ =	shalt  }
0x45: {  	_ =	shalt  }
0x46: {  	_ =	shalt  }
0x47: {  	_ =	shalt  }
0x48: {  	_ =	shalt  }
0x49: {  	_ =	shalt  }
0x4a: {  	_ =	shalt  }
0x4b: {  	_ =	shalt  }
0x4c: {  	_ =	shalt  }
0x4d: {  	_ =	shalt  }
0x4e: {  	_ =	shalt  }
0x4f: {  	_ =	shalt  }
0x50: {  	_ =	shalt  }
0x51: {  	_ =	shalt  }
0x52: {  	_ =	shalt  }
0x53: {  	_ =	shalt  }
0x54: {  	_ =	shalt  }
0x55: {  	_ =	shalt  }
0x56: {  	_ =	shalt  }
0x57: {  	_ =	shalt  }
0x58: {  	_ =	shalt  }
0x59: {  	_ =	shalt  }
0x5a: {  	_ =	shalt  }
0x5b: {  	_ =	shalt  }
0x5c: {  	_ =	shalt  }
0x5d: {  	_ =	shalt  }
0x5e: {  	_ =	shalt  }
0x5f: {  	_ =	shalt  }
0x60: {  	_ =	shalt  }
0x61: {  	_ =	shalt  }
0x62: {  	_ =	shalt  }
0x63: {  	_ =	shalt  }
0x64: {  	_ =	shalt  }
0x65: {  	_ =	shalt  }
0x66: {  	_ =	shalt  }
0x67: {  	_ =	shalt  }
0x68: {  	_ =	shalt  }
0x69: {  	_ =	shalt  }
0x6a: {  	_ =	shalt  }
0x6b: {  	_ =	shalt  }
0x6c: {  	_ =	shalt  }
0x6d: {  	_ =	shalt  }
0x6e: {  	_ =	shalt  }
0x6f: {  	_ =	shalt  }
0x70: {  	_ =	shalt  }
0x71: {  	_ =	shalt  }
0x72: {  	_ =	shalt  }
0x73: {  	_ =	shalt  }
0x74: {  	_ =	shalt  }
0x75: {  	_ =	shalt  }
0x76: {  	_ =	shalt  }
0x77: {  	_ =	shalt  }
0x78: {  	_ =	shalt  }
0x79: {  	_ =	shalt  }
0x7a: {  	_ =	shalt  }
0x7b: {  	_ =	shalt  }
0x7c: {  	_ =	shalt  }
0x7d: {  	_ =	shalt  }
0x7e: {  	_ =	shalt  }
0x7f: {  	_ =	shalt  }
0x80: {  	_ =	shalt  }
0x81: {  	_ =	shalt  }
0x82: {  	_ =	shalt  }
0x83: {  	_ =	shalt  }
0x84: {  	_ =	shalt  }
0x85: {  	_ =	shalt  }
0x86: {  	_ =	shalt  }
0x87: {  	_ =	shalt  }
.Lfunc_end0:
.L_simem_size_0:
called_computation.1_lowered:
.L_overlay_start_0:
0x88: {  	s2 =	sld [smem:$0x3FD9]  }
0x89: {  	s3 =	sld [smem:$0x3FFE];
	_ =	sdelay $0x1  }
0x8a: {  	s1 =	srdreg.scid  }
0x8b: {  	s0 =	sand.u32 $0x1, s1  }
0x8c: {  	s17 =	sshll.u32 s0, $0xA;
	s2 =	sadd.s32 s3, s2  }
0x8d: {  	s2 =	sadd.s32 s2, s17  }
0x8e: {  	[smem:$0x3FC2] =	sst s2  }
0x8f: {  	_ = 	snop  }
0x90: {  	s18 =	sld [smem:$0x3FD0];
	(tm) =	ssettm $0x1  }
0x91: {  	s19 =	sld [smem:$0x3FFB];
	_ =	sdelay $0x3  }
0x92: {  	_ =	strace s19  }
0x93: {  	s2 =	sld [smem:$0x3FFC];
	_ =	sdelay $0x3  }
0x94: {  	_ =	strace s2  }
0x95: {  	s2 =	sld [smem:$0x3FFD];
	_ =	sdelay $0x3  }
0x96: {  	_ =	strace s2  }
0x97: {  	_ =	strace $0x8FFFFFFF  }
0x98: {  	s20 =	sld [smem:$0x3FDB];
	_ =	sdelay $0x1  }
0x99: {  	s4 =	simm.s32 $_scs_section_size  }
0x9a: {  	s5 =	simm.s32 $_size__tile_overlayer_lowered;
	s6 =	simm.s32 $_tile_overlayer_lowered  }
0x9b: {  	s7 =	simm.s32 $0x1BFF;
	s21 =	sshll.u32 s6, $0x1;
	s4 =	sadd.s32 s4, s20  }
0x9c: {  	s22 =	simm.s32 $0x0;
	s5 =	sshll.u32 s5, $0x1;
	s6 =	sadd.s32 s21, s4  }
0x9d: {  	[timem:s22], [sflag:s7] =	dma.local [hbm:s6], s5  }
0x9e: {  	_ =	swait.ge [sflag:s7], s5  }
0x9f: {  	s5 =	ssub.s32 $0x0, s5;
	[sflag:s7] =	ssyncset.done $0x0  }
0xa0: {  	[sflag:s7] =	ssyncadd.s32 s5;
	_ =	sdelay $0x1  }
0xa1: {  	s23 =	simm.s32 $0x1B8B  }
0xa2: {  	_ =	swait.ge [sflag:s23], $0x1  }
0xa3: {  	[sflag:s23] =	ssyncset.done $0x0  }
0xa4: {  	[sflag:s23] =	ssyncadd.s32 $0xFFFFFFFF  }
0xa5: {  	s5 =	sld [smem:$0x0]  }
0xa6: {  	s6 =	sand.u32 $0xFFFFFFFE, s1  }
0xa7: {  	p0 =	sne.s32 s1, s6  }
0xa8: {  	s6 =	sshll.u32 @p0 s6, $0xE  }
0xa9: {  	s6 =	sadd.s32 @p0 $0x11B8D, s6;
	s7 =	sshll.u32 @p0 s5, $0x11  }
0xaa: {  	s6 =	sor.u32 @p0 s7, s6  }
0xab: {  	[sflag:s6] =	ssyncadd.remote.s32 @p0 $0x1;
	_ =	sdelay $0x1  }
0xac: {  	s6 =	simm.s32 @p0 $0x1B8D  }
0xad: {  	_ =	swait.eq @p0 [sflag:s6], $0x1  }
0xae: {  	[sflag:s6] =	ssyncadd.s32 @p0 $0xFFFFFFFF  }
0xaf: {  	s7 =	sshll.u32 @!p0 s1, $0xE  }
0xb0: {  	s7 =	sor.u32 @!p0 $0x4000, s7;
	s6 =	simm.s32 @!p0 $0x1B8D  }
0xb1: {  	s5 =	sshll.u32 @!p0 s5, $0x11;
	s7 =	sadd.s32 @!p0 $0x11B8D, s7;
	_ =	swait.eq @!p0 [sflag:s6], $0x1  }
0xb2: {  	s5 =	sor.u32 @!p0 s5, s7;
	[sflag:s6] =	ssyncadd.s32 @!p0 $0xFFFFFFFF  }
0xb3: {  	s25 =	simm.s32 $0x1B8E;
	s24 =	sld [smem:$0x3FFE];
	[sflag:s5] =	ssyncadd.remote.s32 @!p0 $0x1  }
0xb4: {  	s26 =	simm.s32 $execute0_lowered;
	[smem:$0x3FD2] =	sst s25  }
0xb5: {  	s6 =	sshll.u32 s26, $0x1;
	_ =	strace $0x80000049;
	[dreg:$0x1] =	wrdreg $0xFFFFFFFF  }
0xb6: {  	s28 =	simm.s32 $_size_execute0_lowered;
	s4 =	sadd.s32 s4, s6;
	[dreg:$0x0] =	wrdreg $0x0  }
0xb7: {  	s6 =	sshll.u32 s28, $0x1;
	[dreg:$0x2] =	wrdreg s4  }
0xb8: {  	[dreg:$0x3] =	wrdreg s6  }
0xb9: {  	[dreg:$0x4] =	wrdreg $0xC0  }
0xba: {  	_ =	task [dreg:s22], $0x5FFFF  }
0xbb: {  	[dreg:$0x1] =	wrdreg $0xFFFFFFFF  }
0xbc: {  	[dreg:$0x0] =	wrdreg $0x60  }
0xbd: {  	[dreg:$0x2] =	wrdreg s18  }
0xbe: {  	[dreg:$0x3] =	wrdreg s24  }
0xbf: {  	[dreg:$0x4] =	wrdreg $0xA  }
0xc0: {  	_ =	task.clear_ibuf [dreg:s22], $0x5FFFF;
	_ =	strace $0x90000049  }
0xc1: {  	s29 =	simm.s32 $0xA;
	_ =	strace $0x8000004B  }
0xc2: {  	_ =	swait.ge [sflag:s29], $0x1  }
0xc3: {  	[sflag:s29] =	ssyncadd.s32 $0xFFFFFFFF  }
0xc4: {  	_ =	strace $0x9000004B  }
0xc5: {  	_ =	sfence  }
0xc6: {  	s30 =	sld [smem:$0x0];
	_ =	sdelay $0x2  }
0xc7: {  	s31 =	sshll.u32 s1, $0xD;
	s1 =	sshrl.u32 s1, $0x2  }
0xc8: {  	s4 =	sand.u32 $0x4000, s31;
	s1 =	sadd.s32 s1, s30  }
0xc9: {  	s0 =	sor.u32 s4, s0;
	s1 =	sshll.u32 s1, $0x11  }
0xca: {  	s0 =	sor.u32 s1, s0  }
0xcb: {  	s0 =	sadd.s32 $0x8F2B, s0  }
0xcc: {  	[sflag:s0] =	ssyncadd.remote.s32 $0x1  }
0xcd: {  	_ =	sfence.sel $0xFFFF  }
0xce: {  	[dreg:$0x0] =	wrdreg $0xFFFFFFFF;
	(pc) =	sbr.abs _section_cstart, $3  }
0xcf: {  	[dreg:$0x1] =	wrdreg $0xFFFFFFFF  }
0xd0: {  	_ =	task.clear_ibuf [dreg:s22], $0x2FFFF;
	_ =	strace $0x9FFFFFFF  }
0xd1: {  	(tm) =	ssettm $0x7FFFFFFF  }
tec
execute0_lowered:
.L_overlay_start_1:
0x0: {  	(tag) =	ssettag $0x1  }
0x1: {  	s1 =	srdreg.scid;
	s0 =	stileid.u32  }
0x2: {  	s21 =	sand.u32 $0x1, s1;
	s28 =	sshll.u32 s0, $0x1  }
0x3: {  	s9 =	sor.u32 s21, s28  }
0x4: {  	s19 =	smul.u32 $0x640, s9;
	_ =	sdelay $0x1  }
0x5: {  	s29 =	smulhi.u32 $0x51EB851F, s19;
	_ =	sdelay $0x1  }
0x6: {  	s1 =	sshrl.u32 s29, $0xC  }
0x7: {  	s2 =	sshrl.u32 s0, $0x2;
	s1 =	smul.u32 $0x3200, s1  }
0x8: {  	s20 =	rddreg [dreg:$0x0];
	s3 =	smul.u32 $0x3200, s2  }
0x9: {  	s17 =	rddreg [dreg:$0x1];
	s2 =	simm.s32 $0x0;
	s4 =	ssub.s32 s19, s1  }
0xa: {  	[smem:$0x7FF] =	sst s2;
	s3 =	sadd.s32 s3, s4  }
0xb: {  	s1 =	rddreg [dreg:$0x2];
	s3 =	sshrl.u32 s3, $0x3  }
0xc: {  	_ =	strace $0x8000004A;
	s4 =	simm.s32 $0x5;
	s3 =	sadd.s32 s20, s3  }
0xd: {  	[tilespmem:s2], [sflag:$0x5] =	stream.linear.gather [hbm4b:s3+s2], $0x320, $0x38;
	[tilespmem:$0x19640] =	vst v63  }
0xe: {  	s7 =	simm.s32 $0x640;
	_ =	swait.ge [sflag:s4], $0x320  }
0xf: {  	s5 =	sadd.s32 $0x188C00, s17;
	s6 =	sadd.s32 $0xC800, s19;
	[sflag:s4] =	ssyncset.done $0x0  }
0x10: {  	s8 =	sshrl.u32 s6, $0x3;
	s6 =	simm.s32 $0x320;
	[sflag:s4] =	ssyncadd.s32 $0xFFFFFCE0  }
0x11: {  	[tilespmem:s7], [sflag:$0x1] =	stream.indirect.gather [hbm4b:s5+s6], $0x40, s2, s6, $0xb8;
	[tilespmem:$0x19640] =	vst v63  }
0x12: {  	s8 =	sadd.s32 s20, s8  }
0x13: {  	[tilespmem:s6], [sflag:$0x5] =	stream.linear.gather [hbm4b:s8+s2], $0x320, $0x38;
	[tilespmem:$0x19640] =	vst v63  }
0x14: {  	_ =	swait.ge [sflag:s4], $0x320  }
0x15: {  	s10 =	simm.s32 $0x1;
	[sflag:s4] =	ssyncset.done $0x0  }
0x16: {  	s18 =	smul.u32 $0x6400, s9;
	s9 =	simm.s32 $0xCE40;
	[sflag:s4] =	ssyncadd.s32 $0xFFFFFCE0  }
0x17: {  	[tilespmem:s9], [sflag:$0x2] =	stream.indirect.gather [hbm4b:s5+s6], $0x40, s6, s6, $0xb8;
	[tilespmem:$0x19640] =	vst v63  }
0x18: {  	s12 =	simm.s32 $0x40;
	_ =	swait.ge [sflag:s10], $0xC800  }
0x19: {  	s13 =	simm.s32 $0x80;
	s22 =	sadd.s32 $0x24C200, s17;
	[sflag:s10] =	ssyncset.done $0x0  }
0x1a: {  	s14 =	simm.s32 $0x3;
	s11 =	sadd.s32 s22, s18;
	[sflag:s10] =	ssyncadd.s32 $0xFFFF3800  }
0x1b: {  	[hbm4b:s11+s12] =	stream.strided.scatter [tilespmem:s7], [sflag:$0x3], $0xC800, s13, s12, $0x38;
	[tilespmem:$0x19640] =	vst v63  }
0x1c: {  	s23 =	sadd.s32 $0x320, s19;
	_ =	swait.ge [sflag:s14], $0xC800  }
0x1d: {  	s15 =	sshrl.u32 s23, $0x3;
	[sflag:s14] =	ssyncset.done $0x0  }
0x1e: {  	s15 =	sadd.s32 s20, s15;
	[sflag:s14] =	ssyncadd.s32 $0xFFFF3800  }
0x1f: {  	[tilespmem:s2], [sflag:$0x5] =	stream.linear.gather [hbm4b:s15+s2], $0x320, $0x38;
	[tilespmem:$0x19640] =	vst v63  }
0x20: {  	_ =	swait.ge [sflag:s4], $0x320  }
0x21: {  	[sflag:s4] =	ssyncset.done $0x0  }
0x22: {  	s16 =	simm.s32 $0x2;
	[sflag:s4] =	ssyncadd.s32 $0xFFFFFCE0  }
0x23: {  	[tilespmem:s7], [sflag:$0x1] =	stream.indirect.gather [hbm4b:s5+s6], $0x40, s2, s6, $0xb8;
	[tilespmem:$0x19640] =	vst v63  }
0x24: {  	_ =	swait.ge [sflag:s16], $0xC800  }
0x25: {  	s24 =	sadd.s32 $0x24C208, s17;
	[sflag:s16] =	ssyncset.done $0x0  }
0x26: {  	s17 =	simm.s32 $0x4;
	s18 =	sadd.s32 s18, s24;
	[sflag:s16] =	ssyncadd.s32 $0xFFFF3800  }
0x27: {  	[hbm4b:s18+s12] =	stream.strided.scatter [tilespmem:s9], [sflag:$0x4], $0xC800, s13, s12, $0x38;
	[tilespmem:$0x19640] =	vst v63  }
0x28: {  	s19 =	sshrl.u32 s19, $0x3;
	_ =	swait.ge [sflag:s17], $0xC800  }
0x29: {  	s19 =	sadd.s32 s20, s19;
	[sflag:s17] =	ssyncset.done $0x0  }
0x2a: {  	s19 =	sadd.s32 $0x1964, s19;
	[sflag:s17] =	ssyncadd.s32 $0xFFFF3800  }
0x2b: {  	[tilespmem:s6], [sflag:$0x5] =	stream.linear.gather [hbm4b:s19+s2], $0x320, $0x38;
	[tilespmem:$0x19640] =	vst v63  }
0x2c: {  	_ =	swait.ge [sflag:s4], $0x320  }
0x2d: {  	[sflag:s4] =	ssyncset.done $0x0  }
0x2e: {  	[sflag:s4] =	ssyncadd.s32 $0xFFFFFCE0  }
0x2f: {  	[tilespmem:s9], [sflag:$0x2] =	stream.indirect.gather [hbm4b:s5+s6], $0x40, s6, s6, $0xb8;
	[tilespmem:$0x19640] =	vst v63  }
0x30: {  	_ =	swait.ge [sflag:s10], $0xC800  }
0x31: {  	s30 =	ssub.s32 $0x2, s21;
	s23 =	sshll.u32 s23, $0x4;
	[sflag:s10] =	ssyncset.done $0x0  }
0x32: {  	s31 =	sshrl.u32 s30, $0x1;
	s20 =	sadd.s32 s22, s23;
	[sflag:s10] =	ssyncadd.s32 $0xFFFF3800  }
0x33: {  	[hbm4b:s20+s12] =	stream.strided.scatter [tilespmem:s7], [sflag:$0x3], $0xC800, s13, s12, $0x38;
	[tilespmem:$0x19640] =	vst v63  }
0x34: {  	s22 =	ssub.s32 s30, s31;
	_ =	swait.ge [sflag:s16], $0xC800  }
0x35: {  	s22 =	smax.u32 s22, $0x1;
	[sflag:s16] =	ssyncset.done $0x0  }
0x36: {  	s21 =	sadd.s32 s23, s24;
	p0 =	sne.s32 s22, $0x1;
	[sflag:s16] =	ssyncadd.s32 $0xFFFF3800  }
0x37: {  	[hbm4b:s21+s12] =	stream.strided.scatter [tilespmem:s9], [sflag:$0x4], $0xC800, s13, s12, $0x38;
	[tilespmem:$0x19640] =	vst v63  }
.Ltmp0:
0x38: {  	_ =	swait.ge [sflag:s14], $0xC800;
	(pc) =	sbr.rel @!p0 .LBB2_2-.Ltmp0, $4  }
0x39: {  	[sflag:s14] =	ssyncset.done $0x0  }
0x3a: {  	[sflag:s14] =	ssyncadd.s32 $0xFFFF3800  }
0x3b: {  	_ =	swait.ge [sflag:s17], $0xC800  }
0x3c: {  	s22 =	sadd.s32 $0xFFFFFFFF, s22;
	[sflag:s17] =	ssyncset.done $0x0  }
.LBB2_1:
0x3d: {  	p0 =	sne.s32 s22, $0x1;
	s22 =	sadd.s32 $0xFFFFFFFF, s22;
	[sflag:s17] =	ssyncadd.s32 $0xFFFF3800  }
0x3e: {  	[tilespmem:s2], [sflag:$0x5] =	stream.linear.gather [hbm4b:s3+s2], $0x320, $0x38;
	[tilespmem:$0x19640] =	vst v63  }
0x3f: {  	_ =	swait.ge [sflag:s4], $0x320  }
0x40: {  	[sflag:s4] =	ssyncset.done $0x0  }
0x41: {  	[sflag:s4] =	ssyncadd.s32 $0xFFFFFCE0  }
0x42: {  	[tilespmem:s7], [sflag:$0x1] =	stream.indirect.gather [hbm4b:s5+s6], $0x40, s2, s6, $0xb8;
	[tilespmem:$0x19640] =	vst v63  }
0x43: {  	_ = 	snop  }
0x44: {  	[tilespmem:s6], [sflag:$0x5] =	stream.linear.gather [hbm4b:s8+s2], $0x320, $0x38;
	[tilespmem:$0x19640] =	vst v63  }
0x45: {  	_ =	swait.ge [sflag:s4], $0x320  }
0x46: {  	[sflag:s4] =	ssyncset.done $0x0  }
0x47: {  	[sflag:s4] =	ssyncadd.s32 $0xFFFFFCE0  }
0x48: {  	[tilespmem:s9], [sflag:$0x2] =	stream.indirect.gather [hbm4b:s5+s6], $0x40, s6, s6, $0xb8;
	[tilespmem:$0x19640] =	vst v63  }
0x49: {  	_ =	swait.ge [sflag:s10], $0xC800  }
0x4a: {  	[sflag:s10] =	ssyncset.done $0x0  }
0x4b: {  	[sflag:s10] =	ssyncadd.s32 $0xFFFF3800  }
0x4c: {  	[hbm4b:s11+s12] =	stream.strided.scatter [tilespmem:s7], [sflag:$0x3], $0xC800, s13, s12, $0x38;
	[tilespmem:$0x19640] =	vst v63  }
0x4d: {  	_ =	swait.ge [sflag:s14], $0xC800  }
0x4e: {  	[sflag:s14] =	ssyncset.done $0x0  }
0x4f: {  	[sflag:s14] =	ssyncadd.s32 $0xFFFF3800  }
0x50: {  	[tilespmem:s2], [sflag:$0x5] =	stream.linear.gather [hbm4b:s15+s2], $0x320, $0x38;
	[tilespmem:$0x19640] =	vst v63  }
0x51: {  	_ =	swait.ge [sflag:s4], $0x320  }
0x52: {  	[sflag:s4] =	ssyncset.done $0x0  }
0x53: {  	[sflag:s4] =	ssyncadd.s32 $0xFFFFFCE0  }
0x54: {  	[tilespmem:s7], [sflag:$0x1] =	stream.indirect.gather [hbm4b:s5+s6], $0x40, s2, s6, $0xb8;
	[tilespmem:$0x19640] =	vst v63  }
0x55: {  	_ =	swait.ge [sflag:s16], $0xC800  }
0x56: {  	[sflag:s16] =	ssyncset.done $0x0  }
0x57: {  	[sflag:s16] =	ssyncadd.s32 $0xFFFF3800  }
0x58: {  	[hbm4b:s18+s12] =	stream.strided.scatter [tilespmem:s9], [sflag:$0x4], $0xC800, s13, s12, $0x38;
	[tilespmem:$0x19640] =	vst v63  }
0x59: {  	_ =	swait.ge [sflag:s17], $0xC800  }
0x5a: {  	[sflag:s17] =	ssyncset.done $0x0  }
0x5b: {  	[sflag:s17] =	ssyncadd.s32 $0xFFFF3800  }
0x5c: {  	[tilespmem:s6], [sflag:$0x5] =	stream.linear.gather [hbm4b:s19+s2], $0x320, $0x38;
	[tilespmem:$0x19640] =	vst v63  }
0x5d: {  	_ =	swait.ge [sflag:s4], $0x320  }
0x5e: {  	[sflag:s4] =	ssyncset.done $0x0  }
0x5f: {  	[sflag:s4] =	ssyncadd.s32 $0xFFFFFCE0  }
0x60: {  	[tilespmem:s9], [sflag:$0x2] =	stream.indirect.gather [hbm4b:s5+s6], $0x40, s6, s6, $0xb8;
	[tilespmem:$0x19640] =	vst v63  }
0x61: {  	_ =	swait.ge [sflag:s10], $0xC800  }
0x62: {  	[sflag:s10] =	ssyncset.done $0x0  }
0x63: {  	[sflag:s10] =	ssyncadd.s32 $0xFFFF3800  }
0x64: {  	[hbm4b:s20+s12] =	stream.strided.scatter [tilespmem:s7], [sflag:$0x3], $0xC800, s13, s12, $0x38;
	[tilespmem:$0x19640] =	vst v63  }
0x65: {  	_ =	swait.ge [sflag:s16], $0xC800  }
0x66: {  	[sflag:s16] =	ssyncset.done $0x0  }
0x67: {  	[sflag:s16] =	ssyncadd.s32 $0xFFFF3800  }
0x68: {  	[hbm4b:s21+s12] =	stream.strided.scatter [tilespmem:s9], [sflag:$0x4], $0xC800, s13, s12, $0x38;
	[tilespmem:$0x19640] =	vst v63  }
.Ltmp1:
0x69: {  	_ =	swait.ge [sflag:s14], $0xC800;
	(pc) =	sbr.rel @p0 .LBB2_1-.Ltmp1, $4  }
0x6a: {  	[sflag:s14] =	ssyncset.done $0x0  }
0x6b: {  	[sflag:s14] =	ssyncadd.s32 $0xFFFF3800  }
0x6c: {  	_ =	swait.ge [sflag:s17], $0xC800  }
0x6d: {  	[sflag:s17] =	ssyncset.done $0x0  }
.LBB2_2:
0x6e: {  	[sflag:s17] =	ssyncadd.s32 $0xFFFF3800  }
0x6f: {  	_ =	sfence.sel $0x180000  }
0x70: {  	[bflag:$0x0] =	sbarrier.arrive $0xFFFF  }
0x71: {  	p0 =	sne.s32 s0, $0x0;
	_ =	strace $0x9000004A  }
0x72: {  	s0 =	sadd.s32 @!p0 $0x100000, s1;
	[bflag:$0x2] =	sbarrier.arrive $0xFFFF  }
0x73: {  	[sflag:s0] =	ssyncadd.tile.s32 @!p0 $0x1;
	_ =	shalt  }
.Lfunc_end2:
_tile_overlayer_lowered:
.L_overlay_start_2:
0x74: {  	(tag) =	ssettag $0x2  }
0x75: {  	s0 =	rddreg [dreg:$0x0];
	s2 =	stileid.u32  }
0x76: {  	s1 =	rddreg [dreg:$0x1];
	p0 =	sne.s32 s2, $0x0  }
0x77: {  	s3 =	rddreg [dreg:$0x2];
	[bflag:$0x3] =	sbarrier.arrive $0xFFFF;
	s2 =	simm.s32 @!p0 $0x1C05  }
0x78: {  	[timem:s3], [sflag:s2] =	dma.local @!p0 [hbm:s0], s1  }
0x79: {  	s0 =	simm.s32 @!p0 $0x5  }
0x7a: {  	_ =	swait.ge @!p0 [sflag:s0], s1  }
0x7b: {  	s1 =	ssub.s32 @!p0 $0x0, s1;
	[sflag:s0] =	ssyncset.done @!p0 $0x0  }
0x7c: {  	[sflag:s0] =	ssyncadd.s32 @!p0 s1  }
0x7d: {  	[bflag:$0x3] =	sbarrier.arrive $0xFFFF  }
0x7e: {  	_ =	shalt  }

</sc_bundles>
